<compile_context>
chip_gen: v7x
topology: tpu7x:2x2x1
jax: 0.10.2.dev20260603
libtpu: 0.0.44.dev20260713+nightly
codegen_flags: <defaults>
</compile_context>

<pallas_src>
import functools

import jax
import jax.numpy as jnp
from jax import lax
from jax.experimental import pallas as pl
from jax.experimental.pallas import tpu as pltpu
from jax.experimental.pallas import tpu_sc as plsc

B = 1024
K = 1000
D = 128
OUT = 64
TOP_K = 10
KP = 1024
BB = 1024
NW = 32
RPW = B // NW
NG = 128
GSZ = KP // NG
ROWG = 4

_NEG = -3.0e38



def _lp_body(x_ref, mean_ref, stddev_ref, lp_ref, gid_ref,
             w1_s, w2_s, bias_s):
    @pl.when(pl.program_id(0) == 0)
    def _prep():
        mean = mean_ref[...]
        std = stddev_ref[...]
        iv = 1.0 / (std * std)
        w2 = mean * iv
        w1_s[...] = -0.5 * iv
        w2_s[...] = w2
        bias_s[...] = (jnp.sum(-0.5 * mean * w2 - jnp.log(std), axis=1)
                       - 0.5 * D * jnp.log(2.0 * jnp.pi))[None, :]

    x = x_ref[...]
    t1 = jax.lax.dot_general(x * x, w1_s[...], (((1,), (1,)), ((), ())),
                             preferred_element_type=jnp.float32,
                             precision=jax.lax.Precision.HIGHEST)
    t2 = jax.lax.dot_general(x, w2_s[...], (((1,), (1,)), ((), ())),
                             preferred_element_type=jnp.float32,
                             precision=jax.lax.Precision.HIGHEST)
    lp = t1 + t2 + bias_s[...]
    lp = jnp.concatenate(
        [lp, jnp.full((BB, KP - K), _NEG, jnp.float32)], axis=1)
    lp_ref[...] = lp

    m = jnp.max(lp.reshape(BB, GSZ, NG), axis=1)
    iota = jax.lax.broadcasted_iota(jnp.int32, (BB, NG), 1)
    gid = jnp.zeros((BB, NG), jnp.int32)
    for i in range(TOP_K):
        cur = jnp.max(m, axis=1, keepdims=True)
        ismax = m == cur
        first = jnp.min(jnp.where(ismax, iota, NG), axis=1, keepdims=True)
        gid = jnp.where(iota == i, first, gid)
        m = jnp.where(iota == first, _NEG, m)
    gid_ref[...] = gid


def _distances(x, mean, stddev):
    return pl.pallas_call(
        _lp_body,
        grid=(B // BB,),
        in_specs=[
            pl.BlockSpec((BB, D), lambda i: (i, 0)),
            pl.BlockSpec((K, D), lambda i: (0, 0)),
            pl.BlockSpec((K, D), lambda i: (0, 0)),
        ],
        out_specs=[
            pl.BlockSpec((BB, KP), lambda i: (i, 0)),
            pl.BlockSpec((BB, NG), lambda i: (i, 0)),
        ],
        out_shape=[
            jax.ShapeDtypeStruct((B, KP), jnp.float32),
            jax.ShapeDtypeStruct((B, NG), jnp.int32),
        ],
        scratch_shapes=[
            pltpu.VMEM((K, D), jnp.float32),
            pltpu.VMEM((K, D), jnp.float32),
            pltpu.VMEM((1, K), jnp.float32),
        ],
        compiler_params=pltpu.CompilerParams(
            dimension_semantics=("arbitrary",)),
    )(x, mean, stddev)



def _lane_bcast(v, j):
    idx = jnp.full((16, 1), j, jnp.int32)
    dn = lax.GatherDimensionNumbers(
        offset_dims=(), collapsed_slice_dims=(0,), start_index_map=(0,))
    return lax.gather(v, idx, dn, (1,),
                      mode=lax.GatherScatterMode.PROMISE_IN_BOUNDS)


def _make_sc_combine():
    mesh = plsc.VectorSubcoreMesh(core_axis_name="c", subcore_axis_name="s",
                                  num_cores=2, num_subcores=16)

    @functools.partial(
        pl.kernel,
        out_type=jax.ShapeDtypeStruct((B, OUT), jnp.float32),
        mesh=mesh,
        scratch_types=[
            pltpu.VMEM((RPW, KP), jnp.float32),
            pltpu.VMEM((RPW, NG), jnp.int32),
            pltpu.VMEM((RPW * 16,), jnp.int32),
            pltpu.VMEM((RPW, 16), jnp.float32),
            pltpu.VMEM((K // 2, 2 * OUT), jnp.float32),
            pltpu.VMEM_SHARED((K // 2, 2 * OUT), jnp.float32),
            pltpu.VMEM((RPW, OUT), jnp.float32),
            pltpu.SemaphoreType.DMA,
        ],
        compiler_params=pltpu.CompilerParams(needs_layout_passes=False),
    )
    def sc_top10(lp_hbm, gid_hbm, outputs_hbm, out_hbm,
                 rows_v, gid_v, idx_v, w_v, table_v, table_sh, acc_v, sem):
        wid = lax.axis_index("s") * 2 + lax.axis_index("c")
        base = pl.multiple_of(wid * RPW, RPW)
        with jax.named_scope("sc_stage_table"):
            @pl.when(lax.axis_index("s") == 0)
            def _stage():
                pltpu.sync_copy(outputs_hbm, table_sh)
            plsc.subcore_barrier()
        with jax.named_scope("sc_dma_in"):
            pltpu.sync_copy(lp_hbm.at[pl.ds(base, RPW)], rows_v)
            pltpu.sync_copy(gid_hbm.at[pl.ds(base, RPW)], gid_v)
        table_cp = pltpu.async_copy(table_sh, table_v, sem)

        lane = lax.broadcasted_iota(jnp.int32, (16,), 0)
        lane8 = jnp.bitwise_and(lane, GSZ - 1)

        def merge_rows(g, _):
            gbase = pl.multiple_of(g * ROWG, ROWG)
            for q in range(ROWG):
                r = gbase + q
                rfull = jnp.full((16,), r, jnp.int32)
                gids = gid_v[r, pl.ds(0, 16)]
                hi = lane >= GSZ

                def pair(j2):
                    ga = _lane_bcast(gids, 2 * j2)
                    gb = _lane_bcast(gids, 2 * j2 + 1)
                    gi = jnp.where(hi, gb, ga) + NG * lane8
                    return plsc.load_gather(rows_v, [rfull, gi]), gi

                v, gi = pair(0)
                tv, ti = plsc.sort_key_val(v, gi)
                for j2 in range(1, TOP_K // 2):
                    v, gi = pair(j2)
                    sv, si = plsc.sort_key_val(v, gi, descending=True)
                    m = tv >= sv
                    nv = jnp.where(m, tv, sv)
                    ni = jnp.where(m, ti, si)
                    tv, ti = plsc.sort_key_val(nv, ni)
                m0 = jnp.max(tv)
                e = jnp.where(lane >= 16 - TOP_K, jnp.exp(tv - m0), 0.0)
                w_v[r] = e / jnp.sum(e)
                idx_v[pl.ds(pl.multiple_of(r * 16, 16), 16)] = (
                    jnp.minimum(ti, K - 1))
            return 0

        with jax.named_scope("sc_merge"):
            lax.fori_loop(0, RPW // ROWG, merge_rows, 0)

        with jax.named_scope("sc_table_wait"):
            table_cp.wait()

        def crow(r, _):
            tiv = idx_v[pl.ds(pl.multiple_of(r * 16, 16), 16)]
            wvec = w_v[r]
            accs = [jnp.zeros((16,), jnp.float32) for _ in range(OUT // 16)]
            for j in range(16 - TOP_K, 16):
                kj = _lane_bcast(tiv, j)
                wj = _lane_bcast(wvec, j)
                krow = lax.shift_right_logical(kj, 1)
                kcol = jnp.bitwise_and(kj, 1) * OUT
                for c in range(OUT // 16):
                    col = kcol + c * 16 + lane
                    v = plsc.load_gather(table_v, [krow, col])
                    accs[c] = accs[c] + wj * v
            for c in range(OUT // 16):
                acc_v[r, pl.ds(c * 16, 16)] = accs[c]
            return 0

        with jax.named_scope("sc_combine"):
            lax.fori_loop(0, RPW, crow, 0)
        with jax.named_scope("sc_dma_out"):
            pltpu.sync_copy(acc_v, out_hbm.at[pl.ds(base, RPW)])

    return sc_top10


_sc_combine = _make_sc_combine()


@jax.jit
def kernel(x, mean, stddev, outputs):
    lp, gid = _distances(x, mean, stddev)
    outputs2 = outputs.reshape(K // 2, 2 * OUT)
    return _sc_combine(lp, gid, outputs2)

# --- scband reference (transcript-rebuilt; emitter-appended) ---
"""Pipeline reference for scband-soft-knn-41154376630931 (READ-ONLY COPY).

The authoritative reference and input builder live on the scoring server;
editing this copy changes nothing except your own understanding.
"""

import jax, jax.numpy as jnp
import numpy as np

B = 1024
K = 1000
D = 128
OUT = 64
TOP_K = 10
INIT_STDEV = 1.0


def setup_inputs(seed: int = 0) -> dict:
    key = jax.random.key(seed)
    k1, k2, k3 = jax.random.split(key, 3)
    x = jax.random.normal(k1, (B, D), dtype=jnp.float32)
    # learned parameters of the SoftKNN module
    mean = jax.random.normal(k2, (K, D), dtype=jnp.float32)
    stddev = jnp.ones((K, D), dtype=jnp.float32) * INIT_STDEV
    outputs = jax.random.normal(k3, (K, OUT), dtype=jnp.float32)
    return {"x": x, "mean": mean, "stddev": stddev, "outputs": outputs}


def reference(x, mean, stddev, outputs):
    # softmax_weights: Normal(mean, stddev).log_prob(x[:, None, :])
    xe = x[:, None, :]                       # [B, 1, D]
    var = stddev * stddev                    # [K, D]
    lp = -((xe - mean) ** 2) / (2.0 * var) - jnp.log(stddev) - 0.5 * jnp.log(2.0 * jnp.pi)  # [B, K, D]
    joint_lp = jnp.sum(lp, axis=-1)          # [B, K]
    top_vals, top_idxs = jax.lax.top_k(joint_lp, TOP_K)   # [B, TOP_K]
    softmax_weights = jax.nn.softmax(top_vals, axis=-1)   # [B, TOP_K]
    gathered = outputs[top_idxs, :]          # [B, TOP_K, OUT]
    weighted = gathered * softmax_weights[..., None]       # [B, TOP_K, OUT]
    out = jnp.sum(weighted, axis=-2)         # [B, OUT]
    return out

if __name__ == "__main__":
    import jax
    _d = setup_inputs()
    print(jax.jit(kernel)(*tuple(_d.values())))

</pallas_src>

<mosaic_0001>
#map = affine_map<(d0, d1) -> (0, 0)>
module attributes {stable_mosaic.version = 14 : i64} {
  func.func @sc_top10(%arg0: i32, %arg1: i32, %arg2: memref<1024x1024xf32, #tpu.memory_space<hbm>>, %arg3: memref<1024x128xi32, #tpu.memory_space<hbm>>, %arg4: memref<500x128xf32, #tpu.memory_space<hbm>>, %arg5: memref<1024x64xf32, #tpu.memory_space<hbm>>, %arg6: memref<32x1024xf32, #tpu.memory_space<vmem>>, %arg7: memref<32x128xi32, #tpu.memory_space<vmem>>, %arg8: memref<512xi32, #tpu.memory_space<vmem>>, %arg9: memref<32x16xf32, #tpu.memory_space<vmem>>, %arg10: memref<500x128xf32, #tpu.memory_space<vmem>>, %arg11: memref<500x128xf32, #tpu.memory_space<vmem_shared>>, %arg12: memref<32x64xf32, #tpu.memory_space<vmem>>, %arg13: memref<!tpu.dma_semaphore, #tpu.memory_space<semaphore_mem>>) attributes {dimension_semantics = [#tpu.dimension_semantics<core_parallel>, #tpu.dimension_semantics<subcore_parallel>], iteration_bounds = array<i64: 2, 16>, scalar_prefetch = 0 : i64, scratch_operands = 8 : i64, tpu.core_type = #tpu.core_type<sc_vector_subcore>, window_params = [{transform_indices = #map}, {transform_indices = #map}, {transform_indices = #map}, {transform_indices = #map}]} {
    %mul3A = arith.constant 2 : i32
    %mul3A_0 = arith.muli %arg1, %mul3A : i32
    %add3A = arith.addi %mul3A_0, %arg0 : i32
    %mul3A_1 = arith.constant 32 : i32
    %mul3A_2 = arith.muli %add3A, %mul3A_1 : i32
    %multiple_of3A = tpu.assume_multiple %mul3A_2, 32 : i32
    "tpu.trace_start"() <{level = 10 : i32, message = "sc_stage_table"}> : () -> ()
    %eq3A = arith.constant 0 : i32
    %eq3A_3 = arith.cmpi eq, %arg1, %eq3A : i32
    %convert_element_type3A = arith.extui %eq3A_3 : i1 to i32
    %cond3A = arith.constant 0 : i32
    %cond3A_4 = arith.cmpi ne, %convert_element_type3A, %cond3A : i32
    scf.if %cond3A_4 {
      "tpu.region"() ({
        %run_scoped3A = tpu.sem_alloc : memref<!tpu.dma_semaphore, #tpu.memory_space<semaphore_mem>>
        tpu.enqueue_dma source(%arg4 : memref<500x128xf32, #tpu.memory_space<hbm>>) target(%arg11 : memref<500x128xf32, #tpu.memory_space<vmem_shared>>) target_semaphore(%run_scoped3A : memref<!tpu.dma_semaphore, #tpu.memory_space<semaphore_mem>>)
        tpu.wait_dma2 semaphore(%run_scoped3A : memref<!tpu.dma_semaphore, #tpu.memory_space<semaphore_mem>>) src(%arg4 : memref<500x128xf32, #tpu.memory_space<hbm>>) dst(%arg11 : memref<500x128xf32, #tpu.memory_space<vmem_shared>>)
        tpu.yield
      }) : () -> ()
    } else {
    }
    %barrier3A = arith.constant 0 : index
    tpu.barrier barrier_id(%barrier3A)
    "tpu.trace_stop"() : () -> ()
    "tpu.trace_start"() <{level = 10 : i32, message = "sc_dma_in"}> : () -> ()
    "tpu.region"() ({
      %run_scoped3A = tpu.sem_alloc : memref<!tpu.dma_semaphore, #tpu.memory_space<semaphore_mem>>
      %dma_start3A = arith.constant 0 : i32
      %dma_start3A_20 = tpu.memref_slice %arg2[%multiple_of3A, %dma_start3A] : memref<1024x1024xf32, #tpu.memory_space<hbm>> -> memref<32x1024xf32, #tpu.memory_space<hbm>>
      %dma_start3A_21 = arith.constant 0 : i32
      %dma_start3A_22 = tpu.memref_slice %arg2[%multiple_of3A, %dma_start3A_21] : memref<1024x1024xf32, #tpu.memory_space<hbm>> -> memref<32x1024xf32, #tpu.memory_space<hbm>>
      tpu.enqueue_dma source(%dma_start3A_22 : memref<32x1024xf32, #tpu.memory_space<hbm>>) target(%arg6 : memref<32x1024xf32, #tpu.memory_space<vmem>>) target_semaphore(%run_scoped3A : memref<!tpu.dma_semaphore, #tpu.memory_space<semaphore_mem>>)
      %dma_wait3A = arith.constant 0 : i32
      %dma_wait3A_23 = tpu.memref_slice %arg2[%multiple_of3A, %dma_wait3A] : memref<1024x1024xf32, #tpu.memory_space<hbm>> -> memref<32x1024xf32, #tpu.memory_space<hbm>>
      %dma_wait3A_24 = arith.constant 0 : i32
      %dma_wait3A_25 = tpu.memref_slice %arg2[%multiple_of3A, %dma_wait3A_24] : memref<1024x1024xf32, #tpu.memory_space<hbm>> -> memref<32x1024xf32, #tpu.memory_space<hbm>>
      tpu.wait_dma2 semaphore(%run_scoped3A : memref<!tpu.dma_semaphore, #tpu.memory_space<semaphore_mem>>) src(%dma_wait3A_25 : memref<32x1024xf32, #tpu.memory_space<hbm>>) dst(%arg6 : memref<32x1024xf32, #tpu.memory_space<vmem>>)
      tpu.yield
    }) : () -> ()
    "tpu.region"() ({
      %run_scoped3A = tpu.sem_alloc : memref<!tpu.dma_semaphore, #tpu.memory_space<semaphore_mem>>
      %dma_start3A = arith.constant 0 : i32
      %dma_start3A_20 = tpu.memref_slice %arg3[%multiple_of3A, %dma_start3A] : memref<1024x128xi32, #tpu.memory_space<hbm>> -> memref<32x128xi32, #tpu.memory_space<hbm>>
      %dma_start3A_21 = arith.constant 0 : i32
      %dma_start3A_22 = tpu.memref_slice %arg3[%multiple_of3A, %dma_start3A_21] : memref<1024x128xi32, #tpu.memory_space<hbm>> -> memref<32x128xi32, #tpu.memory_space<hbm>>
      tpu.enqueue_dma source(%dma_start3A_22 : memref<32x128xi32, #tpu.memory_space<hbm>>) target(%arg7 : memref<32x128xi32, #tpu.memory_space<vmem>>) target_semaphore(%run_scoped3A : memref<!tpu.dma_semaphore, #tpu.memory_space<semaphore_mem>>)
      %dma_wait3A = arith.constant 0 : i32
      %dma_wait3A_23 = tpu.memref_slice %arg3[%multiple_of3A, %dma_wait3A] : memref<1024x128xi32, #tpu.memory_space<hbm>> -> memref<32x128xi32, #tpu.memory_space<hbm>>
      %dma_wait3A_24 = arith.constant 0 : i32
      %dma_wait3A_25 = tpu.memref_slice %arg3[%multiple_of3A, %dma_wait3A_24] : memref<1024x128xi32, #tpu.memory_space<hbm>> -> memref<32x128xi32, #tpu.memory_space<hbm>>
      tpu.wait_dma2 semaphore(%run_scoped3A : memref<!tpu.dma_semaphore, #tpu.memory_space<semaphore_mem>>) src(%dma_wait3A_25 : memref<32x128xi32, #tpu.memory_space<hbm>>) dst(%arg7 : memref<32x128xi32, #tpu.memory_space<vmem>>)
      tpu.yield
    }) : () -> ()
    "tpu.trace_stop"() : () -> ()
    tpu.enqueue_dma source(%arg11 : memref<500x128xf32, #tpu.memory_space<vmem_shared>>) target(%arg10 : memref<500x128xf32, #tpu.memory_space<vmem>>) target_semaphore(%arg13 : memref<!tpu.dma_semaphore, #tpu.memory_space<semaphore_mem>>)
    %iota3A = tpu.iota {dimensions = array<i32: 0>} : vector<16xi32>
    %and3A = arith.constant 7 : i32
    %and3A_5 = vector.broadcast %and3A : i32 to vector<16xi32>
    %and3A_6 = arith.andi %iota3A, %and3A_5 : vector<16xi32>
    "tpu.trace_start"() <{level = 10 : i32, message = "sc_merge"}> : () -> ()
    %scan3A = arith.constant 0 : i32
    %scan3A_7 = arith.constant 0 : i32
    %scan3A_8 = arith.constant 8 : i32
    %scan3A_9 = arith.addi %scan3A_7, %scan3A_8 : i32
    %scan3A_10 = arith.constant 1 : i32
    %scan3A_11 = scf.for %scan3A_20 = %scan3A_7 to %scan3A_9 step %scan3A_10 iter_args(%scan3A_21 = %scan3A) -> (i32)  : i32 {
      %mul3A_22 = arith.constant 4 : i32
      %mul3A_23 = arith.muli %scan3A_20, %mul3A_22 : i32
      %multiple_of3A_24 = tpu.assume_multiple %mul3A_23, 4 : i32
      %add3A_25 = arith.constant 0 : i32
      %add3A_26 = arith.addi %multiple_of3A_24, %add3A_25 : i32
      %broadcast_in_dim3A = vector.broadcast %add3A_26 : i32 to vector<16xi32>
      %get3A = arith.index_cast %add3A_26 : i32 to index
      %get3A_27 = arith.constant 0 : index
      %get3A_28 = tpu.vector_load %arg7[%get3A, %get3A_27] {strides = array<i32>} : memref<32x128xi32, #tpu.memory_space<vmem>>, vector<16xi32>,
      %ge3A = arith.constant 8 : i32
      %ge3A_29 = vector.broadcast %ge3A : i32 to vector<16xi32>
      %ge3A_30 = arith.cmpi sge, %iota3A, %ge3A_29 : vector<16xi32>
      %broadcast_in_dim3A_31 = arith.constant 0 : i32
      %broadcast_in_dim3A_32 = vector.broadcast %broadcast_in_dim3A_31 : i32 to vector<16x1xi32>
      %gather3A = vector.shape_cast %broadcast_in_dim3A_32 : vector<16x1xi32> to vector<16xi32>
      %gather3A_33 = tpu.dynamic_gather %get3A_28[%gather3A] in [0] : vector<16xi32>, vector<16xi32> -> vector<16xi32>
      %broadcast_in_dim3A_34 = arith.constant 1 : i32
      %broadcast_in_dim3A_35 = vector.broadcast %broadcast_in_dim3A_34 : i32 to vector<16x1xi32>
      %gather3A_36 = vector.shape_cast %broadcast_in_dim3A_35 : vector<16x1xi32> to vector<16xi32>
      %gather3A_37 = tpu.dynamic_gather %get3A_28[%gather3A_36] in [0] : vector<16xi32>, vector<16xi32> -> vector<16xi32>
      %select_n3A = arith.select %ge3A_30, %gather3A_37, %gather3A_33 : vector<16xi1>, vector<16xi32>
      %mul3A_38 = arith.constant 128 : i32
      %mul3A_39 = vector.broadcast %mul3A_38 : i32 to vector<16xi32>
      %mul3A_40 = arith.muli %mul3A_39, %and3A_6 : vector<16xi32>
      %add3A_41 = arith.addi %select_n3A, %mul3A_40 : vector<16xi32>
      %gather3A_42 = tpu.vector_load_idx %arg6[%broadcast_in_dim3A, %add3A_41] : memref<32x1024xf32, #tpu.memory_space<vmem>>[vector<16xi32>, vector<16xi32>], vector<16xf32>,
      %masked_sort3A = arith.constant dense<true> : vector<16xi1>
      %masked_sort3A_43, %masked_sort3A_44, %masked_sort3A_45 = tpu.sort %gather3A_42, %add3A_41 masked %masked_sort3A : (vector<16xf32>, vector<16xi32>, vector<16xi1>) -> (vector<16xi1>, vector<16xf32>, vector<16xi32>)
      %broadcast_in_dim3A_46 = arith.constant 2 : i32
      %broadcast_in_dim3A_47 = vector.broadcast %broadcast_in_dim3A_46 : i32 to vector<16x1xi32>
      %gather3A_48 = vector.shape_cast %broadcast_in_dim3A_47 : vector<16x1xi32> to vector<16xi32>
      %gather3A_49 = tpu.dynamic_gather %get3A_28[%gather3A_48] in [0] : vector<16xi32>, vector<16xi32> -> vector<16xi32>
      %broadcast_in_dim3A_50 = arith.constant 3 : i32
      %broadcast_in_dim3A_51 = vector.broadcast %broadcast_in_dim3A_50 : i32 to vector<16x1xi32>
      %gather3A_52 = vector.shape_cast %broadcast_in_dim3A_51 : vector<16x1xi32> to vector<16xi32>
      %gather3A_53 = tpu.dynamic_gather %get3A_28[%gather3A_52] in [0] : vector<16xi32>, vector<16xi32> -> vector<16xi32>
      %select_n3A_54 = arith.select %ge3A_30, %gather3A_53, %gather3A_49 : vector<16xi1>, vector<16xi32>
      %mul3A_55 = arith.constant 128 : i32
      %mul3A_56 = vector.broadcast %mul3A_55 : i32 to vector<16xi32>
      %mul3A_57 = arith.muli %mul3A_56, %and3A_6 : vector<16xi32>
      %add3A_58 = arith.addi %select_n3A_54, %mul3A_57 : vector<16xi32>
      %gather3A_59 = tpu.vector_load_idx %arg6[%broadcast_in_dim3A, %add3A_58] : memref<32x1024xf32, #tpu.memory_space<vmem>>[vector<16xi32>, vector<16xi32>], vector<16xf32>,
      %masked_sort3A_60 = arith.constant dense<true> : vector<16xi1>
      %masked_sort3A_61, %masked_sort3A_62, %masked_sort3A_63 = tpu.sort %gather3A_59, %add3A_58 masked %masked_sort3A_60 {descending = true} : (vector<16xf32>, vector<16xi32>, vector<16xi1>) -> (vector<16xi1>, vector<16xf32>, vector<16xi32>)
      %ge3A_64 = arith.cmpf oge, %masked_sort3A_44, %masked_sort3A_62 : vector<16xf32>
      %select_n3A_65 = arith.select %ge3A_64, %masked_sort3A_44, %masked_sort3A_62 : vector<16xi1>, vector<16xf32>
      %select_n3A_66 = arith.select %ge3A_64, %masked_sort3A_45, %masked_sort3A_63 : vector<16xi1>, vector<16xi32>
      %masked_sort3A_67 = arith.constant dense<true> : vector<16xi1>
      %masked_sort3A_68, %masked_sort3A_69, %masked_sort3A_70 = tpu.sort %select_n3A_65, %select_n3A_66 masked %masked_sort3A_67 : (vector<16xf32>, vector<16xi32>, vector<16xi1>) -> (vector<16xi1>, vector<16xf32>, vector<16xi32>)
      %broadcast_in_dim3A_71 = arith.constant 4 : i32
      %broadcast_in_dim3A_72 = vector.broadcast %broadcast_in_dim3A_71 : i32 to vector<16x1xi32>
      %gather3A_73 = vector.shape_cast %broadcast_in_dim3A_72 : vector<16x1xi32> to vector<16xi32>
      %gather3A_74 = tpu.dynamic_gather %get3A_28[%gather3A_73] in [0] : vector<16xi32>, vector<16xi32> -> vector<16xi32>
      %broadcast_in_dim3A_75 = arith.constant 5 : i32
      %broadcast_in_dim3A_76 = vector.broadcast %broadcast_in_dim3A_75 : i32 to vector<16x1xi32>
      %gather3A_77 = vector.shape_cast %broadcast_in_dim3A_76 : vector<16x1xi32> to vector<16xi32>
      %gather3A_78 = tpu.dynamic_gather %get3A_28[%gather3A_77] in [0] : vector<16xi32>, vector<16xi32> -> vector<16xi32>
      %select_n3A_79 = arith.select %ge3A_30, %gather3A_78, %gather3A_74 : vector<16xi1>, vector<16xi32>
      %mul3A_80 = arith.constant 128 : i32
      %mul3A_81 = vector.broadcast %mul3A_80 : i32 to vector<16xi32>
      %mul3A_82 = arith.muli %mul3A_81, %and3A_6 : vector<16xi32>
      %add3A_83 = arith.addi %select_n3A_79, %mul3A_82 : vector<16xi32>
      %gather3A_84 = tpu.vector_load_idx %arg6[%broadcast_in_dim3A, %add3A_83] : memref<32x1024xf32, #tpu.memory_space<vmem>>[vector<16xi32>, vector<16xi32>], vector<16xf32>,
      %masked_sort3A_85 = arith.constant dense<true> : vector<16xi1>
      %masked_sort3A_86, %masked_sort3A_87, %masked_sort3A_88 = tpu.sort %gather3A_84, %add3A_83 masked %masked_sort3A_85 {descending = true} : (vector<16xf32>, vector<16xi32>, vector<16xi1>) -> (vector<16xi1>, vector<16xf32>, vector<16xi32>)
      %ge3A_89 = arith.cmpf oge, %masked_sort3A_69, %masked_sort3A_87 : vector<16xf32>
      %select_n3A_90 = arith.select %ge3A_89, %masked_sort3A_69, %masked_sort3A_87 : vector<16xi1>, vector<16xf32>
      %select_n3A_91 = arith.select %ge3A_89, %masked_sort3A_70, %masked_sort3A_88 : vector<16xi1>, vector<16xi32>
      %masked_sort3A_92 = arith.constant dense<true> : vector<16xi1>
      %masked_sort3A_93, %masked_sort3A_94, %masked_sort3A_95 = tpu.sort %select_n3A_90, %select_n3A_91 masked %masked_sort3A_92 : (vector<16xf32>, vector<16xi32>, vector<16xi1>) -> (vector<16xi1>, vector<16xf32>, vector<16xi32>)
      %broadcast_in_dim3A_96 = arith.constant 6 : i32
      %broadcast_in_dim3A_97 = vector.broadcast %broadcast_in_dim3A_96 : i32 to vector<16x1xi32>
      %gather3A_98 = vector.shape_cast %broadcast_in_dim3A_97 : vector<16x1xi32> to vector<16xi32>
      %gather3A_99 = tpu.dynamic_gather %get3A_28[%gather3A_98] in [0] : vector<16xi32>, vector<16xi32> -> vector<16xi32>
      %broadcast_in_dim3A_100 = arith.constant 7 : i32
      %broadcast_in_dim3A_101 = vector.broadcast %broadcast_in_dim3A_100 : i32 to vector<16x1xi32>
      %gather3A_102 = vector.shape_cast %broadcast_in_dim3A_101 : vector<16x1xi32> to vector<16xi32>
      %gather3A_103 = tpu.dynamic_gather %get3A_28[%gather3A_102] in [0] : vector<16xi32>, vector<16xi32> -> vector<16xi32>
      %select_n3A_104 = arith.select %ge3A_30, %gather3A_103, %gather3A_99 : vector<16xi1>, vector<16xi32>
      %mul3A_105 = arith.constant 128 : i32
      %mul3A_106 = vector.broadcast %mul3A_105 : i32 to vector<16xi32>
      %mul3A_107 = arith.muli %mul3A_106, %and3A_6 : vector<16xi32>
      %add3A_108 = arith.addi %select_n3A_104, %mul3A_107 : vector<16xi32>
      %gather3A_109 = tpu.vector_load_idx %arg6[%broadcast_in_dim3A, %add3A_108] : memref<32x1024xf32, #tpu.memory_space<vmem>>[vector<16xi32>, vector<16xi32>], vector<16xf32>,
      %masked_sort3A_110 = arith.constant dense<true> : vector<16xi1>
      %masked_sort3A_111, %masked_sort3A_112, %masked_sort3A_113 = tpu.sort %gather3A_109, %add3A_108 masked %masked_sort3A_110 {descending = true} : (vector<16xf32>, vector<16xi32>, vector<16xi1>) -> (vector<16xi1>, vector<16xf32>, vector<16xi32>)
      %ge3A_114 = arith.cmpf oge, %masked_sort3A_94, %masked_sort3A_112 : vector<16xf32>
      %select_n3A_115 = arith.select %ge3A_114, %masked_sort3A_94, %masked_sort3A_112 : vector<16xi1>, vector<16xf32>
      %select_n3A_116 = arith.select %ge3A_114, %masked_sort3A_95, %masked_sort3A_113 : vector<16xi1>, vector<16xi32>
      %masked_sort3A_117 = arith.constant dense<true> : vector<16xi1>
      %masked_sort3A_118, %masked_sort3A_119, %masked_sort3A_120 = tpu.sort %select_n3A_115, %select_n3A_116 masked %masked_sort3A_117 : (vector<16xf32>, vector<16xi32>, vector<16xi1>) -> (vector<16xi1>, vector<16xf32>, vector<16xi32>)
      %broadcast_in_dim3A_121 = arith.constant 8 : i32
      %broadcast_in_dim3A_122 = vector.broadcast %broadcast_in_dim3A_121 : i32 to vector<16x1xi32>
      %gather3A_123 = vector.shape_cast %broadcast_in_dim3A_122 : vector<16x1xi32> to vector<16xi32>
      %gather3A_124 = tpu.dynamic_gather %get3A_28[%gather3A_123] in [0] : vector<16xi32>, vector<16xi32> -> vector<16xi32>
      %broadcast_in_dim3A_125 = arith.constant 9 : i32
      %broadcast_in_dim3A_126 = vector.broadcast %broadcast_in_dim3A_125 : i32 to vector<16x1xi32>
      %gather3A_127 = vector.shape_cast %broadcast_in_dim3A_126 : vector<16x1xi32> to vector<16xi32>
      %gather3A_128 = tpu.dynamic_gather %get3A_28[%gather3A_127] in [0] : vector<16xi32>, vector<16xi32> -> vector<16xi32>
      %select_n3A_129 = arith.select %ge3A_30, %gather3A_128, %gather3A_124 : vector<16xi1>, vector<16xi32>
      %mul3A_130 = arith.constant 128 : i32
      %mul3A_131 = vector.broadcast %mul3A_130 : i32 to vector<16xi32>
      %mul3A_132 = arith.muli %mul3A_131, %and3A_6 : vector<16xi32>
      %add3A_133 = arith.addi %select_n3A_129, %mul3A_132 : vector<16xi32>
      %gather3A_134 = tpu.vector_load_idx %arg6[%broadcast_in_dim3A, %add3A_133] : memref<32x1024xf32, #tpu.memory_space<vmem>>[vector<16xi32>, vector<16xi32>], vector<16xf32>,
      %masked_sort3A_135 = arith.constant dense<true> : vector<16xi1>
      %masked_sort3A_136, %masked_sort3A_137, %masked_sort3A_138 = tpu.sort %gather3A_134, %add3A_133 masked %masked_sort3A_135 {descending = true} : (vector<16xf32>, vector<16xi32>, vector<16xi1>) -> (vector<16xi1>, vector<16xf32>, vector<16xi32>)
      %ge3A_139 = arith.cmpf oge, %masked_sort3A_119, %masked_sort3A_137 : vector<16xf32>
      %select_n3A_140 = arith.select %ge3A_139, %masked_sort3A_119, %masked_sort3A_137 : vector<16xi1>, vector<16xf32>
      %select_n3A_141 = arith.select %ge3A_139, %masked_sort3A_120, %masked_sort3A_138 : vector<16xi1>, vector<16xi32>
      %masked_sort3A_142 = arith.constant dense<true> : vector<16xi1>
      %masked_sort3A_143, %masked_sort3A_144, %masked_sort3A_145 = tpu.sort %select_n3A_140, %select_n3A_141 masked %masked_sort3A_142 : (vector<16xf32>, vector<16xi32>, vector<16xi1>) -> (vector<16xi1>, vector<16xf32>, vector<16xi32>)
      %reduce_max3A = arith.constant true
      %reduce_max3A_146 = vector.broadcast %reduce_max3A : i1 to vector<16xi1>
      %reduce_max3A_147 = tpu.scan <max>, %masked_sort3A_144 masked %reduce_max3A_146 : vector<16xf32>, vector<16xi1> -> vector<16xf32>
      %reduce_max3A_148 = vector.extract %reduce_max3A_147[15] : f32 from vector<16xf32>
      %ge3A_149 = arith.constant 6 : i32
      %ge3A_150 = vector.broadcast %ge3A_149 : i32 to vector<16xi32>
      %ge3A_151 = arith.cmpi sge, %iota3A, %ge3A_150 : vector<16xi32>
      %sub3A = vector.broadcast %reduce_max3A_148 : f32 to vector<16xf32>
      %sub3A_152 = arith.subf %masked_sort3A_144, %sub3A : vector<16xf32>
      %exp3A = math.exp %sub3A_152 : vector<16xf32>
      %jit3A = arith.constant 0.000000e+00 : f32
      %broadcast_in_dim3A_153 = vector.broadcast %jit3A : f32 to vector<16xf32>
      %select_n3A_154 = arith.select %ge3A_151, %exp3A, %broadcast_in_dim3A_153 : vector<16xi1>, vector<16xf32>
      %reduce_sum3A = arith.constant true
      %reduce_sum3A_155 = vector.broadcast %reduce_sum3A : i1 to vector<16xi1>
      %reduce_sum3A_156 = tpu.scan <sum>, %select_n3A_154 masked %reduce_sum3A_155 : vector<16xf32>, vector<16xi1> -> vector<16xf32>
      %reduce_sum3A_157 = vector.extract %reduce_sum3A_156[15] : f32 from vector<16xf32>
      %div3A = vector.broadcast %reduce_sum3A_157 : f32 to vector<16xf32>
      %div3A_158 = arith.divf %select_n3A_154, %div3A : vector<16xf32>
      %swap3A = arith.index_cast %add3A_26 : i32 to index
      %swap3A_159 = arith.constant 0 : index
      %swap3A_160 = tpu.vector_load %arg9[%swap3A, %swap3A_159] {strides = array<i32>} : memref<32x16xf32, #tpu.memory_space<vmem>>, vector<16xf32>,
      tpu.vector_store %arg9[%swap3A, %swap3A_159], %div3A_158 {strides = array<i32>} : memref<32x16xf32, #tpu.memory_space<vmem>>, vector<16xf32>,
      %min3A = arith.constant 999 : i32
      %min3A_161 = vector.broadcast %min3A : i32 to vector<16xi32>
      %min3A_162 = arith.minsi %masked_sort3A_145, %min3A_161 : vector<16xi32>
      %mul3A_163 = arith.constant 16 : i32
      %mul3A_164 = arith.muli %add3A_26, %mul3A_163 : i32
      %multiple_of3A_165 = tpu.assume_multiple %mul3A_164, 16 : i32
      %swap3A_166 = arith.index_cast %multiple_of3A_165 : i32 to index
      %swap3A_167 = tpu.vector_load %arg8[%swap3A_166] {strides = array<i32>} : memref<512xi32, #tpu.memory_space<vmem>>, vector<16xi32>,
      tpu.vector_store %arg8[%swap3A_166], %min3A_162 {strides = array<i32>} : memref<512xi32, #tpu.memory_space<vmem>>, vector<16xi32>,
      %add3A_168 = arith.constant 1 : i32
      %add3A_169 = arith.addi %multiple_of3A_24, %add3A_168 : i32
      %broadcast_in_dim3A_170 = vector.broadcast %add3A_169 : i32 to vector<16xi32>
      %get3A_171 = arith.index_cast %add3A_169 : i32 to index
      %get3A_172 = arith.constant 0 : index
      %get3A_173 = tpu.vector_load %arg7[%get3A_171, %get3A_172] {strides = array<i32>} : memref<32x128xi32, #tpu.memory_space<vmem>>, vector<16xi32>,
      %ge3A_174 = arith.constant 8 : i32
      %ge3A_175 = vector.broadcast %ge3A_174 : i32 to vector<16xi32>
      %ge3A_176 = arith.cmpi sge, %iota3A, %ge3A_175 : vector<16xi32>
      %broadcast_in_dim3A_177 = arith.constant 0 : i32
      %broadcast_in_dim3A_178 = vector.broadcast %broadcast_in_dim3A_177 : i32 to vector<16x1xi32>
      %gather3A_179 = vector.shape_cast %broadcast_in_dim3A_178 : vector<16x1xi32> to vector<16xi32>
      %gather3A_180 = tpu.dynamic_gather %get3A_173[%gather3A_179] in [0] : vector<16xi32>, vector<16xi32> -> vector<16xi32>
      %broadcast_in_dim3A_181 = arith.constant 1 : i32
      %broadcast_in_dim3A_182 = vector.broadcast %broadcast_in_dim3A_181 : i32 to vector<16x1xi32>
      %gather3A_183 = vector.shape_cast %broadcast_in_dim3A_182 : vector<16x1xi32> to vector<16xi32>
      %gather3A_184 = tpu.dynamic_gather %get3A_173[%gather3A_183] in [0] : vector<16xi32>, vector<16xi32> -> vector<16xi32>
      %select_n3A_185 = arith.select %ge3A_176, %gather3A_184, %gather3A_180 : vector<16xi1>, vector<16xi32>
      %mul3A_186 = arith.constant 128 : i32
      %mul3A_187 = vector.broadcast %mul3A_186 : i32 to vector<16xi32>
      %mul3A_188 = arith.muli %mul3A_187, %and3A_6 : vector<16xi32>
      %add3A_189 = arith.addi %select_n3A_185, %mul3A_188 : vector<16xi32>
      %gather3A_190 = tpu.vector_load_idx %arg6[%broadcast_in_dim3A_170, %add3A_189] : memref<32x1024xf32, #tpu.memory_space<vmem>>[vector<16xi32>, vector<16xi32>], vector<16xf32>,
      %masked_sort3A_191 = arith.constant dense<true> : vector<16xi1>
      %masked_sort3A_192, %masked_sort3A_193, %masked_sort3A_194 = tpu.sort %gather3A_190, %add3A_189 masked %masked_sort3A_191 : (vector<16xf32>, vector<16xi32>, vector<16xi1>) -> (vector<16xi1>, vector<16xf32>, vector<16xi32>)
      %broadcast_in_dim3A_195 = arith.constant 2 : i32
      %broadcast_in_dim3A_196 = vector.broadcast %broadcast_in_dim3A_195 : i32 to vector<16x1xi32>
      %gather3A_197 = vector.shape_cast %broadcast_in_dim3A_196 : vector<16x1xi32> to vector<16xi32>
      %gather3A_198 = tpu.dynamic_gather %get3A_173[%gather3A_197] in [0] : vector<16xi32>, vector<16xi32> -> vector<16xi32>
      %broadcast_in_dim3A_199 = arith.constant 3 : i32
      %broadcast_in_dim3A_200 = vector.broadcast %broadcast_in_dim3A_199 : i32 to vector<16x1xi32>
      %gather3A_201 = vector.shape_cast %broadcast_in_dim3A_200 : vector<16x1xi32> to vector<16xi32>
      %gather3A_202 = tpu.dynamic_gather %get3A_173[%gather3A_201] in [0] : vector<16xi32>, vector<16xi32> -> vector<16xi32>
      %select_n3A_203 = arith.select %ge3A_176, %gather3A_202, %gather3A_198 : vector<16xi1>, vector<16xi32>
      %mul3A_204 = arith.constant 128 : i32
      %mul3A_205 = vector.broadcast %mul3A_204 : i32 to vector<16xi32>
      %mul3A_206 = arith.muli %mul3A_205, %and3A_6 : vector<16xi32>
      %add3A_207 = arith.addi %select_n3A_203, %mul3A_206 : vector<16xi32>
      %gather3A_208 = tpu.vector_load_idx %arg6[%broadcast_in_dim3A_170, %add3A_207] : memref<32x1024xf32, #tpu.memory_space<vmem>>[vector<16xi32>, vector<16xi32>], vector<16xf32>,
      %masked_sort3A_209 = arith.constant dense<true> : vector<16xi1>
      %masked_sort3A_210, %masked_sort3A_211, %masked_sort3A_212 = tpu.sort %gather3A_208, %add3A_207 masked %masked_sort3A_209 {descending = true} : (vector<16xf32>, vector<16xi32>, vector<16xi1>) -> (vector<16xi1>, vector<16xf32>, vector<16xi32>)
      %ge3A_213 = arith.cmpf oge, %masked_sort3A_193, %masked_sort3A_211 : vector<16xf32>
      %select_n3A_214 = arith.select %ge3A_213, %masked_sort3A_193, %masked_sort3A_211 : vector<16xi1>, vector<16xf32>
      %select_n3A_215 = arith.select %ge3A_213, %masked_sort3A_194, %masked_sort3A_212 : vector<16xi1>, vector<16xi32>
      %masked_sort3A_216 = arith.constant dense<true> : vector<16xi1>
      %masked_sort3A_217, %masked_sort3A_218, %masked_sort3A_219 = tpu.sort %select_n3A_214, %select_n3A_215 masked %masked_sort3A_216 : (vector<16xf32>, vector<16xi32>, vector<16xi1>) -> (vector<16xi1>, vector<16xf32>, vector<16xi32>)
      %broadcast_in_dim3A_220 = arith.constant 4 : i32
      %broadcast_in_dim3A_221 = vector.broadcast %broadcast_in_dim3A_220 : i32 to vector<16x1xi32>
      %gather3A_222 = vector.shape_cast %broadcast_in_dim3A_221 : vector<16x1xi32> to vector<16xi32>
      %gather3A_223 = tpu.dynamic_gather %get3A_173[%gather3A_222] in [0] : vector<16xi32>, vector<16xi32> -> vector<16xi32>
      %broadcast_in_dim3A_224 = arith.constant 5 : i32
      %broadcast_in_dim3A_225 = vector.broadcast %broadcast_in_dim3A_224 : i32 to vector<16x1xi32>
      %gather3A_226 = vector.shape_cast %broadcast_in_dim3A_225 : vector<16x1xi32> to vector<16xi32>
      %gather3A_227 = tpu.dynamic_gather %get3A_173[%gather3A_226] in [0] : vector<16xi32>, vector<16xi32> -> vector<16xi32>
      %select_n3A_228 = arith.select %ge3A_176, %gather3A_227, %gather3A_223 : vector<16xi1>, vector<16xi32>
      %mul3A_229 = arith.constant 128 : i32
      %mul3A_230 = vector.broadcast %mul3A_229 : i32 to vector<16xi32>
      %mul3A_231 = arith.muli %mul3A_230, %and3A_6 : vector<16xi32>
      %add3A_232 = arith.addi %select_n3A_228, %mul3A_231 : vector<16xi32>
      %gather3A_233 = tpu.vector_load_idx %arg6[%broadcast_in_dim3A_170, %add3A_232] : memref<32x1024xf32, #tpu.memory_space<vmem>>[vector<16xi32>, vector<16xi32>], vector<16xf32>,
      %masked_sort3A_234 = arith.constant dense<true> : vector<16xi1>
      %masked_sort3A_235, %masked_sort3A_236, %masked_sort3A_237 = tpu.sort %gather3A_233, %add3A_232 masked %masked_sort3A_234 {descending = true} : (vector<16xf32>, vector<16xi32>, vector<16xi1>) -> (vector<16xi1>, vector<16xf32>, vector<16xi32>)
      %ge3A_238 = arith.cmpf oge, %masked_sort3A_218, %masked_sort3A_236 : vector<16xf32>
      %select_n3A_239 = arith.select %ge3A_238, %masked_sort3A_218, %masked_sort3A_236 : vector<16xi1>, vector<16xf32>
      %select_n3A_240 = arith.select %ge3A_238, %masked_sort3A_219, %masked_sort3A_237 : vector<16xi1>, vector<16xi32>
      %masked_sort3A_241 = arith.constant dense<true> : vector<16xi1>
      %masked_sort3A_242, %masked_sort3A_243, %masked_sort3A_244 = tpu.sort %select_n3A_239, %select_n3A_240 masked %masked_sort3A_241 : (vector<16xf32>, vector<16xi32>, vector<16xi1>) -> (vector<16xi1>, vector<16xf32>, vector<16xi32>)
      %broadcast_in_dim3A_245 = arith.constant 6 : i32
      %broadcast_in_dim3A_246 = vector.broadcast %broadcast_in_dim3A_245 : i32 to vector<16x1xi32>
      %gather3A_247 = vector.shape_cast %broadcast_in_dim3A_246 : vector<16x1xi32> to vector<16xi32>
      %gather3A_248 = tpu.dynamic_gather %get3A_173[%gather3A_247] in [0] : vector<16xi32>, vector<16xi32> -> vector<16xi32>
      %broadcast_in_dim3A_249 = arith.constant 7 : i32
      %broadcast_in_dim3A_250 = vector.broadcast %broadcast_in_dim3A_249 : i32 to vector<16x1xi32>
      %gather3A_251 = vector.shape_cast %broadcast_in_dim3A_250 : vector<16x1xi32> to vector<16xi32>
      %gather3A_252 = tpu.dynamic_gather %get3A_173[%gather3A_251] in [0] : vector<16xi32>, vector<16xi32> -> vector<16xi32>
      %select_n3A_253 = arith.select %ge3A_176, %gather3A_252, %gather3A_248 : vector<16xi1>, vector<16xi32>
      %mul3A_254 = arith.constant 128 : i32
      %mul3A_255 = vector.broadcast %mul3A_254 : i32 to vector<16xi32>
      %mul3A_256 = arith.muli %mul3A_255, %and3A_6 : vector<16xi32>
      %add3A_257 = arith.addi %select_n3A_253, %mul3A_256 : vector<16xi32>
      %gather3A_258 = tpu.vector_load_idx %arg6[%broadcast_in_dim3A_170, %add3A_257] : memref<32x1024xf32, #tpu.memory_space<vmem>>[vector<16xi32>, vector<16xi32>], vector<16xf32>,
      %masked_sort3A_259 = arith.constant dense<true> : vector<16xi1>
      %masked_sort3A_260, %masked_sort3A_261, %masked_sort3A_262 = tpu.sort %gather3A_258, %add3A_257 masked %masked_sort3A_259 {descending = true} : (vector<16xf32>, vector<16xi32>, vector<16xi1>) -> (vector<16xi1>, vector<16xf32>, vector<16xi32>)
      %ge3A_263 = arith.cmpf oge, %masked_sort3A_243, %masked_sort3A_261 : vector<16xf32>
      %select_n3A_264 = arith.select %ge3A_263, %masked_sort3A_243, %masked_sort3A_261 : vector<16xi1>, vector<16xf32>
      %select_n3A_265 = arith.select %ge3A_263, %masked_sort3A_244, %masked_sort3A_262 : vector<16xi1>, vector<16xi32>
      %masked_sort3A_266 = arith.constant dense<true> : vector<16xi1>
      %masked_sort3A_267, %masked_sort3A_268, %masked_sort3A_269 = tpu.sort %select_n3A_264, %select_n3A_265 masked %masked_sort3A_266 : (vector<16xf32>, vector<16xi32>, vector<16xi1>) -> (vector<16xi1>, vector<16xf32>, vector<16xi32>)
      %broadcast_in_dim3A_270 = arith.constant 8 : i32
      %broadcast_in_dim3A_271 = vector.broadcast %broadcast_in_dim3A_270 : i32 to vector<16x1xi32>
      %gather3A_272 = vector.shape_cast %broadcast_in_dim3A_271 : vector<16x1xi32> to vector<16xi32>
      %gather3A_273 = tpu.dynamic_gather %get3A_173[%gather3A_272] in [0] : vector<16xi32>, vector<16xi32> -> vector<16xi32>
      %broadcast_in_dim3A_274 = arith.constant 9 : i32
      %broadcast_in_dim3A_275 = vector.broadcast %broadcast_in_dim3A_274 : i32 to vector<16x1xi32>
      %gather3A_276 = vector.shape_cast %broadcast_in_dim3A_275 : vector<16x1xi32> to vector<16xi32>
      %gather3A_277 = tpu.dynamic_gather %get3A_173[%gather3A_276] in [0] : vector<16xi32>, vector<16xi32> -> vector<16xi32>
      %select_n3A_278 = arith.select %ge3A_176, %gather3A_277, %gather3A_273 : vector<16xi1>, vector<16xi32>
      %mul3A_279 = arith.constant 128 : i32
      %mul3A_280 = vector.broadcast %mul3A_279 : i32 to vector<16xi32>
      %mul3A_281 = arith.muli %mul3A_280, %and3A_6 : vector<16xi32>
      %add3A_282 = arith.addi %select_n3A_278, %mul3A_281 : vector<16xi32>
      %gather3A_283 = tpu.vector_load_idx %arg6[%broadcast_in_dim3A_170, %add3A_282] : memref<32x1024xf32, #tpu.memory_space<vmem>>[vector<16xi32>, vector<16xi32>], vector<16xf32>,
      %masked_sort3A_284 = arith.constant dense<true> : vector<16xi1>
      %masked_sort3A_285, %masked_sort3A_286, %masked_sort3A_287 = tpu.sort %gather3A_283, %add3A_282 masked %masked_sort3A_284 {descending = true} : (vector<16xf32>, vector<16xi32>, vector<16xi1>) -> (vector<16xi1>, vector<16xf32>, vector<16xi32>)
      %ge3A_288 = arith.cmpf oge, %masked_sort3A_268, %masked_sort3A_286 : vector<16xf32>
      %select_n3A_289 = arith.select %ge3A_288, %masked_sort3A_268, %masked_sort3A_286 : vector<16xi1>, vector<16xf32>
      %select_n3A_290 = arith.select %ge3A_288, %masked_sort3A_269, %masked_sort3A_287 : vector<16xi1>, vector<16xi32>
      %masked_sort3A_291 = arith.constant dense<true> : vector<16xi1>
      %masked_sort3A_292, %masked_sort3A_293, %masked_sort3A_294 = tpu.sort %select_n3A_289, %select_n3A_290 masked %masked_sort3A_291 : (vector<16xf32>, vector<16xi32>, vector<16xi1>) -> (vector<16xi1>, vector<16xf32>, vector<16xi32>)
      %reduce_max3A_295 = arith.constant true
      %reduce_max3A_296 = vector.broadcast %reduce_max3A_295 : i1 to vector<16xi1>
      %reduce_max3A_297 = tpu.scan <max>, %masked_sort3A_293 masked %reduce_max3A_296 : vector<16xf32>, vector<16xi1> -> vector<16xf32>
      %reduce_max3A_298 = vector.extract %reduce_max3A_297[15] : f32 from vector<16xf32>
      %ge3A_299 = arith.constant 6 : i32
      %ge3A_300 = vector.broadcast %ge3A_299 : i32 to vector<16xi32>
      %ge3A_301 = arith.cmpi sge, %iota3A, %ge3A_300 : vector<16xi32>
      %sub3A_302 = vector.broadcast %reduce_max3A_298 : f32 to vector<16xf32>
      %sub3A_303 = arith.subf %masked_sort3A_293, %sub3A_302 : vector<16xf32>
      %exp3A_304 = math.exp %sub3A_303 : vector<16xf32>
      %jit3A_305 = arith.constant 0.000000e+00 : f32
      %broadcast_in_dim3A_306 = vector.broadcast %jit3A_305 : f32 to vector<16xf32>
      %select_n3A_307 = arith.select %ge3A_301, %exp3A_304, %broadcast_in_dim3A_306 : vector<16xi1>, vector<16xf32>
      %reduce_sum3A_308 = arith.constant true
      %reduce_sum3A_309 = vector.broadcast %reduce_sum3A_308 : i1 to vector<16xi1>
      %reduce_sum3A_310 = tpu.scan <sum>, %select_n3A_307 masked %reduce_sum3A_309 : vector<16xf32>, vector<16xi1> -> vector<16xf32>
      %reduce_sum3A_311 = vector.extract %reduce_sum3A_310[15] : f32 from vector<16xf32>
      %div3A_312 = vector.broadcast %reduce_sum3A_311 : f32 to vector<16xf32>
      %div3A_313 = arith.divf %select_n3A_307, %div3A_312 : vector<16xf32>
      %swap3A_314 = arith.index_cast %add3A_169 : i32 to index
      %swap3A_315 = arith.constant 0 : index
      %swap3A_316 = tpu.vector_load %arg9[%swap3A_314, %swap3A_315] {strides = array<i32>} : memref<32x16xf32, #tpu.memory_space<vmem>>, vector<16xf32>,
      tpu.vector_store %arg9[%swap3A_314, %swap3A_315], %div3A_313 {strides = array<i32>} : memref<32x16xf32, #tpu.memory_space<vmem>>, vector<16xf32>,
      %min3A_317 = arith.constant 999 : i32
      %min3A_318 = vector.broadcast %min3A_317 : i32 to vector<16xi32>
      %min3A_319 = arith.minsi %masked_sort3A_294, %min3A_318 : vector<16xi32>
      %mul3A_320 = arith.constant 16 : i32
      %mul3A_321 = arith.muli %add3A_169, %mul3A_320 : i32
      %multiple_of3A_322 = tpu.assume_multiple %mul3A_321, 16 : i32
      %swap3A_323 = arith.index_cast %multiple_of3A_322 : i32 to index
      %swap3A_324 = tpu.vector_load %arg8[%swap3A_323] {strides = array<i32>} : memref<512xi32, #tpu.memory_space<vmem>>, vector<16xi32>,
      tpu.vector_store %arg8[%swap3A_323], %min3A_319 {strides = array<i32>} : memref<512xi32, #tpu.memory_space<vmem>>, vector<16xi32>,
      %add3A_325 = arith.constant 2 : i32
      %add3A_326 = arith.addi %multiple_of3A_24, %add3A_325 : i32
      %broadcast_in_dim3A_327 = vector.broadcast %add3A_326 : i32 to vector<16xi32>
      %get3A_328 = arith.index_cast %add3A_326 : i32 to index
      %get3A_329 = arith.constant 0 : index
      %get3A_330 = tpu.vector_load %arg7[%get3A_328, %get3A_329] {strides = array<i32>} : memref<32x128xi32, #tpu.memory_space<vmem>>, vector<16xi32>,
      %ge3A_331 = arith.constant 8 : i32
      %ge3A_332 = vector.broadcast %ge3A_331 : i32 to vector<16xi32>
      %ge3A_333 = arith.cmpi sge, %iota3A, %ge3A_332 : vector<16xi32>
      %broadcast_in_dim3A_334 = arith.constant 0 : i32
      %broadcast_in_dim3A_335 = vector.broadcast %broadcast_in_dim3A_334 : i32 to vector<16x1xi32>
      %gather3A_336 = vector.shape_cast %broadcast_in_dim3A_335 : vector<16x1xi32> to vector<16xi32>
      %gather3A_337 = tpu.dynamic_gather %get3A_330[%gather3A_336] in [0] : vector<16xi32>, vector<16xi32> -> vector<16xi32>
      %broadcast_in_dim3A_338 = arith.constant 1 : i32
      %broadcast_in_dim3A_339 = vector.broadcast %broadcast_in_dim3A_338 : i32 to vector<16x1xi32>
      %gather3A_340 = vector.shape_cast %broadcast_in_dim3A_339 : vector<16x1xi32> to vector<16xi32>
      %gather3A_341 = tpu.dynamic_gather %get3A_330[%gather3A_340] in [0] : vector<16xi32>, vector<16xi32> -> vector<16xi32>
      %select_n3A_342 = arith.select %ge3A_333, %gather3A_341, %gather3A_337 : vector<16xi1>, vector<16xi32>
      %mul3A_343 = arith.constant 128 : i32
      %mul3A_344 = vector.broadcast %mul3A_343 : i32 to vector<16xi32>
      %mul3A_345 = arith.muli %mul3A_344, %and3A_6 : vector<16xi32>
      %add3A_346 = arith.addi %select_n3A_342, %mul3A_345 : vector<16xi32>
      %gather3A_347 = tpu.vector_load_idx %arg6[%broadcast_in_dim3A_327, %add3A_346] : memref<32x1024xf32, #tpu.memory_space<vmem>>[vector<16xi32>, vector<16xi32>], vector<16xf32>,
      %masked_sort3A_348 = arith.constant dense<true> : vector<16xi1>
      %masked_sort3A_349, %masked_sort3A_350, %masked_sort3A_351 = tpu.sort %gather3A_347, %add3A_346 masked %masked_sort3A_348 : (vector<16xf32>, vector<16xi32>, vector<16xi1>) -> (vector<16xi1>, vector<16xf32>, vector<16xi32>)
      %broadcast_in_dim3A_352 = arith.constant 2 : i32
      %broadcast_in_dim3A_353 = vector.broadcast %broadcast_in_dim3A_352 : i32 to vector<16x1xi32>
      %gather3A_354 = vector.shape_cast %broadcast_in_dim3A_353 : vector<16x1xi32> to vector<16xi32>
      %gather3A_355 = tpu.dynamic_gather %get3A_330[%gather3A_354] in [0] : vector<16xi32>, vector<16xi32> -> vector<16xi32>
      %broadcast_in_dim3A_356 = arith.constant 3 : i32
      %broadcast_in_dim3A_357 = vector.broadcast %broadcast_in_dim3A_356 : i32 to vector<16x1xi32>
      %gather3A_358 = vector.shape_cast %broadcast_in_dim3A_357 : vector<16x1xi32> to vector<16xi32>
      %gather3A_359 = tpu.dynamic_gather %get3A_330[%gather3A_358] in [0] : vector<16xi32>, vector<16xi32> -> vector<16xi32>
      %select_n3A_360 = arith.select %ge3A_333, %gather3A_359, %gather3A_355 : vector<16xi1>, vector<16xi32>
      %mul3A_361 = arith.constant 128 : i32
      %mul3A_362 = vector.broadcast %mul3A_361 : i32 to vector<16xi32>
      %mul3A_363 = arith.muli %mul3A_362, %and3A_6 : vector<16xi32>
      %add3A_364 = arith.addi %select_n3A_360, %mul3A_363 : vector<16xi32>
      %gather3A_365 = tpu.vector_load_idx %arg6[%broadcast_in_dim3A_327, %add3A_364] : memref<32x1024xf32, #tpu.memory_space<vmem>>[vector<16xi32>, vector<16xi32>], vector<16xf32>,
      %masked_sort3A_366 = arith.constant dense<true> : vector<16xi1>
      %masked_sort3A_367, %masked_sort3A_368, %masked_sort3A_369 = tpu.sort %gather3A_365, %add3A_364 masked %masked_sort3A_366 {descending = true} : (vector<16xf32>, vector<16xi32>, vector<16xi1>) -> (vector<16xi1>, vector<16xf32>, vector<16xi32>)
      %ge3A_370 = arith.cmpf oge, %masked_sort3A_350, %masked_sort3A_368 : vector<16xf32>
      %select_n3A_371 = arith.select %ge3A_370, %masked_sort3A_350, %masked_sort3A_368 : vector<16xi1>, vector<16xf32>
      %select_n3A_372 = arith.select %ge3A_370, %masked_sort3A_351, %masked_sort3A_369 : vector<16xi1>, vector<16xi32>
      %masked_sort3A_373 = arith.constant dense<true> : vector<16xi1>
      %masked_sort3A_374, %masked_sort3A_375, %masked_sort3A_376 = tpu.sort %select_n3A_371, %select_n3A_372 masked %masked_sort3A_373 : (vector<16xf32>, vector<16xi32>, vector<16xi1>) -> (vector<16xi1>, vector<16xf32>, vector<16xi32>)
      %broadcast_in_dim3A_377 = arith.constant 4 : i32
      %broadcast_in_dim3A_378 = vector.broadcast %broadcast_in_dim3A_377 : i32 to vector<16x1xi32>
      %gather3A_379 = vector.shape_cast %broadcast_in_dim3A_378 : vector<16x1xi32> to vector<16xi32>
      %gather3A_380 = tpu.dynamic_gather %get3A_330[%gather3A_379] in [0] : vector<16xi32>, vector<16xi32> -> vector<16xi32>
      %broadcast_in_dim3A_381 = arith.constant 5 : i32
      %broadcast_in_dim3A_382 = vector.broadcast %broadcast_in_dim3A_381 : i32 to vector<16x1xi32>
      %gather3A_383 = vector.shape_cast %broadcast_in_dim3A_382 : vector<16x1xi32> to vector<16xi32>
      %gather3A_384 = tpu.dynamic_gather %get3A_330[%gather3A_383] in [0] : vector<16xi32>, vector<16xi32> -> vector<16xi32>
      %select_n3A_385 = arith.select %ge3A_333, %gather3A_384, %gather3A_380 : vector<16xi1>, vector<16xi32>
      %mul3A_386 = arith.constant 128 : i32
      %mul3A_387 = vector.broadcast %mul3A_386 : i32 to vector<16xi32>
      %mul3A_388 = arith.muli %mul3A_387, %and3A_6 : vector<16xi32>
      %add3A_389 = arith.addi %select_n3A_385, %mul3A_388 : vector<16xi32>
      %gather3A_390 = tpu.vector_load_idx %arg6[%broadcast_in_dim3A_327, %add3A_389] : memref<32x1024xf32, #tpu.memory_space<vmem>>[vector<16xi32>, vector<16xi32>], vector<16xf32>,
      %masked_sort3A_391 = arith.constant dense<true> : vector<16xi1>
      %masked_sort3A_392, %masked_sort3A_393, %masked_sort3A_394 = tpu.sort %gather3A_390, %add3A_389 masked %masked_sort3A_391 {descending = true} : (vector<16xf32>, vector<16xi32>, vector<16xi1>) -> (vector<16xi1>, vector<16xf32>, vector<16xi32>)
      %ge3A_395 = arith.cmpf oge, %masked_sort3A_375, %masked_sort3A_393 : vector<16xf32>
      %select_n3A_396 = arith.select %ge3A_395, %masked_sort3A_375, %masked_sort3A_393 : vector<16xi1>, vector<16xf32>
      %select_n3A_397 = arith.select %ge3A_395, %masked_sort3A_376, %masked_sort3A_394 : vector<16xi1>, vector<16xi32>
      %masked_sort3A_398 = arith.constant dense<true> : vector<16xi1>
      %masked_sort3A_399, %masked_sort3A_400, %masked_sort3A_401 = tpu.sort %select_n3A_396, %select_n3A_397 masked %masked_sort3A_398 : (vector<16xf32>, vector<16xi32>, vector<16xi1>) -> (vector<16xi1>, vector<16xf32>, vector<16xi32>)
      %broadcast_in_dim3A_402 = arith.constant 6 : i32
      %broadcast_in_dim3A_403 = vector.broadcast %broadcast_in_dim3A_402 : i32 to vector<16x1xi32>
      %gather3A_404 = vector.shape_cast %broadcast_in_dim3A_403 : vector<16x1xi32> to vector<16xi32>
      %gather3A_405 = tpu.dynamic_gather %get3A_330[%gather3A_404] in [0] : vector<16xi32>, vector<16xi32> -> vector<16xi32>
      %broadcast_in_dim3A_406 = arith.constant 7 : i32
      %broadcast_in_dim3A_407 = vector.broadcast %broadcast_in_dim3A_406 : i32 to vector<16x1xi32>
      %gather3A_408 = vector.shape_cast %broadcast_in_dim3A_407 : vector<16x1xi32> to vector<16xi32>
      %gather3A_409 = tpu.dynamic_gather %get3A_330[%gather3A_408] in [0] : vector<16xi32>, vector<16xi32> -> vector<16xi32>
      %select_n3A_410 = arith.select %ge3A_333, %gather3A_409, %gather3A_405 : vector<16xi1>, vector<16xi32>
      %mul3A_411 = arith.constant 128 : i32
      %mul3A_412 = vector.broadcast %mul3A_411 : i32 to vector<16xi32>
      %mul3A_413 = arith.muli %mul3A_412, %and3A_6 : vector<16xi32>
      %add3A_414 = arith.addi %select_n3A_410, %mul3A_413 : vector<16xi32>
      %gather3A_415 = tpu.vector_load_idx %arg6[%broadcast_in_dim3A_327, %add3A_414] : memref<32x1024xf32, #tpu.memory_space<vmem>>[vector<16xi32>, vector<16xi32>], vector<16xf32>,
      %masked_sort3A_416 = arith.constant dense<true> : vector<16xi1>
      %masked_sort3A_417, %masked_sort3A_418, %masked_sort3A_419 = tpu.sort %gather3A_415, %add3A_414 masked %masked_sort3A_416 {descending = true} : (vector<16xf32>, vector<16xi32>, vector<16xi1>) -> (vector<16xi1>, vector<16xf32>, vector<16xi32>)
      %ge3A_420 = arith.cmpf oge, %masked_sort3A_400, %masked_sort3A_418 : vector<16xf32>
      %select_n3A_421 = arith.select %ge3A_420, %masked_sort3A_400, %masked_sort3A_418 : vector<16xi1>, vector<16xf32>
      %select_n3A_422 = arith.select %ge3A_420, %masked_sort3A_401, %masked_sort3A_419 : vector<16xi1>, vector<16xi32>
      %masked_sort3A_423 = arith.constant dense<true> : vector<16xi1>
      %masked_sort3A_424, %masked_sort3A_425, %masked_sort3A_426 = tpu.sort %select_n3A_421, %select_n3A_422 masked %masked_sort3A_423 : (vector<16xf32>, vector<16xi32>, vector<16xi1>) -> (vector<16xi1>, vector<16xf32>, vector<16xi32>)
      %broadcast_in_dim3A_427 = arith.constant 8 : i32
      %broadcast_in_dim3A_428 = vector.broadcast %broadcast_in_dim3A_427 : i32 to vector<16x1xi32>
      %gather3A_429 = vector.shape_cast %broadcast_in_dim3A_428 : vector<16x1xi32> to vector<16xi32>
      %gather3A_430 = tpu.dynamic_gather %get3A_330[%gather3A_429] in [0] : vector<16xi32>, vector<16xi32> -> vector<16xi32>
      %broadcast_in_dim3A_431 = arith.constant 9 : i32
      %broadcast_in_dim3A_432 = vector.broadcast %broadcast_in_dim3A_431 : i32 to vector<16x1xi32>
      %gather3A_433 = vector.shape_cast %broadcast_in_dim3A_432 : vector<16x1xi32> to vector<16xi32>
      %gather3A_434 = tpu.dynamic_gather %get3A_330[%gather3A_433] in [0] : vector<16xi32>, vector<16xi32> -> vector<16xi32>
      %select_n3A_435 = arith.select %ge3A_333, %gather3A_434, %gather3A_430 : vector<16xi1>, vector<16xi32>
      %mul3A_436 = arith.constant 128 : i32
      %mul3A_437 = vector.broadcast %mul3A_436 : i32 to vector<16xi32>
      %mul3A_438 = arith.muli %mul3A_437, %and3A_6 : vector<16xi32>
      %add3A_439 = arith.addi %select_n3A_435, %mul3A_438 : vector<16xi32>
      %gather3A_440 = tpu.vector_load_idx %arg6[%broadcast_in_dim3A_327, %add3A_439] : memref<32x1024xf32, #tpu.memory_space<vmem>>[vector<16xi32>, vector<16xi32>], vector<16xf32>,
      %masked_sort3A_441 = arith.constant dense<true> : vector<16xi1>
      %masked_sort3A_442, %masked_sort3A_443, %masked_sort3A_444 = tpu.sort %gather3A_440, %add3A_439 masked %masked_sort3A_441 {descending = true} : (vector<16xf32>, vector<16xi32>, vector<16xi1>) -> (vector<16xi1>, vector<16xf32>, vector<16xi32>)
      %ge3A_445 = arith.cmpf oge, %masked_sort3A_425, %masked_sort3A_443 : vector<16xf32>
      %select_n3A_446 = arith.select %ge3A_445, %masked_sort3A_425, %masked_sort3A_443 : vector<16xi1>, vector<16xf32>
      %select_n3A_447 = arith.select %ge3A_445, %masked_sort3A_426, %masked_sort3A_444 : vector<16xi1>, vector<16xi32>
      %masked_sort3A_448 = arith.constant dense<true> : vector<16xi1>
      %masked_sort3A_449, %masked_sort3A_450, %masked_sort3A_451 = tpu.sort %select_n3A_446, %select_n3A_447 masked %masked_sort3A_448 : (vector<16xf32>, vector<16xi32>, vector<16xi1>) -> (vector<16xi1>, vector<16xf32>, vector<16xi32>)
      %reduce_max3A_452 = arith.constant true
      %reduce_max3A_453 = vector.broadcast %reduce_max3A_452 : i1 to vector<16xi1>
      %reduce_max3A_454 = tpu.scan <max>, %masked_sort3A_450 masked %reduce_max3A_453 : vector<16xf32>, vector<16xi1> -> vector<16xf32>
      %reduce_max3A_455 = vector.extract %reduce_max3A_454[15] : f32 from vector<16xf32>
      %ge3A_456 = arith.constant 6 : i32
      %ge3A_457 = vector.broadcast %ge3A_456 : i32 to vector<16xi32>
      %ge3A_458 = arith.cmpi sge, %iota3A, %ge3A_457 : vector<16xi32>
      %sub3A_459 = vector.broadcast %reduce_max3A_455 : f32 to vector<16xf32>
      %sub3A_460 = arith.subf %masked_sort3A_450, %sub3A_459 : vector<16xf32>
      %exp3A_461 = math.exp %sub3A_460 : vector<16xf32>
      %jit3A_462 = arith.constant 0.000000e+00 : f32
      %broadcast_in_dim3A_463 = vector.broadcast %jit3A_462 : f32 to vector<16xf32>
      %select_n3A_464 = arith.select %ge3A_458, %exp3A_461, %broadcast_in_dim3A_463 : vector<16xi1>, vector<16xf32>
      %reduce_sum3A_465 = arith.constant true
      %reduce_sum3A_466 = vector.broadcast %reduce_sum3A_465 : i1 to vector<16xi1>
      %reduce_sum3A_467 = tpu.scan <sum>, %select_n3A_464 masked %reduce_sum3A_466 : vector<16xf32>, vector<16xi1> -> vector<16xf32>
      %reduce_sum3A_468 = vector.extract %reduce_sum3A_467[15] : f32 from vector<16xf32>
      %div3A_469 = vector.broadcast %reduce_sum3A_468 : f32 to vector<16xf32>
      %div3A_470 = arith.divf %select_n3A_464, %div3A_469 : vector<16xf32>
      %swap3A_471 = arith.index_cast %add3A_326 : i32 to index
      %swap3A_472 = arith.constant 0 : index
      %swap3A_473 = tpu.vector_load %arg9[%swap3A_471, %swap3A_472] {strides = array<i32>} : memref<32x16xf32, #tpu.memory_space<vmem>>, vector<16xf32>,
      tpu.vector_store %arg9[%swap3A_471, %swap3A_472], %div3A_470 {strides = array<i32>} : memref<32x16xf32, #tpu.memory_space<vmem>>, vector<16xf32>,
      %min3A_474 = arith.constant 999 : i32
      %min3A_475 = vector.broadcast %min3A_474 : i32 to vector<16xi32>
      %min3A_476 = arith.minsi %masked_sort3A_451, %min3A_475 : vector<16xi32>
      %mul3A_477 = arith.constant 16 : i32
      %mul3A_478 = arith.muli %add3A_326, %mul3A_477 : i32
      %multiple_of3A_479 = tpu.assume_multiple %mul3A_478, 16 : i32
      %swap3A_480 = arith.index_cast %multiple_of3A_479 : i32 to index
      %swap3A_481 = tpu.vector_load %arg8[%swap3A_480] {strides = array<i32>} : memref<512xi32, #tpu.memory_space<vmem>>, vector<16xi32>,
      tpu.vector_store %arg8[%swap3A_480], %min3A_476 {strides = array<i32>} : memref<512xi32, #tpu.memory_space<vmem>>, vector<16xi32>,
      %add3A_482 = arith.constant 3 : i32
      %add3A_483 = arith.addi %multiple_of3A_24, %add3A_482 : i32
      %broadcast_in_dim3A_484 = vector.broadcast %add3A_483 : i32 to vector<16xi32>
      %get3A_485 = arith.index_cast %add3A_483 : i32 to index
      %get3A_486 = arith.constant 0 : index
      %get3A_487 = tpu.vector_load %arg7[%get3A_485, %get3A_486] {strides = array<i32>} : memref<32x128xi32, #tpu.memory_space<vmem>>, vector<16xi32>,
      %ge3A_488 = arith.constant 8 : i32
      %ge3A_489 = vector.broadcast %ge3A_488 : i32 to vector<16xi32>
      %ge3A_490 = arith.cmpi sge, %iota3A, %ge3A_489 : vector<16xi32>
      %broadcast_in_dim3A_491 = arith.constant 0 : i32
      %broadcast_in_dim3A_492 = vector.broadcast %broadcast_in_dim3A_491 : i32 to vector<16x1xi32>
      %gather3A_493 = vector.shape_cast %broadcast_in_dim3A_492 : vector<16x1xi32> to vector<16xi32>
      %gather3A_494 = tpu.dynamic_gather %get3A_487[%gather3A_493] in [0] : vector<16xi32>, vector<16xi32> -> vector<16xi32>
      %broadcast_in_dim3A_495 = arith.constant 1 : i32
      %broadcast_in_dim3A_496 = vector.broadcast %broadcast_in_dim3A_495 : i32 to vector<16x1xi32>
      %gather3A_497 = vector.shape_cast %broadcast_in_dim3A_496 : vector<16x1xi32> to vector<16xi32>
      %gather3A_498 = tpu.dynamic_gather %get3A_487[%gather3A_497] in [0] : vector<16xi32>, vector<16xi32> -> vector<16xi32>
      %select_n3A_499 = arith.select %ge3A_490, %gather3A_498, %gather3A_494 : vector<16xi1>, vector<16xi32>
      %mul3A_500 = arith.constant 128 : i32
      %mul3A_501 = vector.broadcast %mul3A_500 : i32 to vector<16xi32>
      %mul3A_502 = arith.muli %mul3A_501, %and3A_6 : vector<16xi32>
      %add3A_503 = arith.addi %select_n3A_499, %mul3A_502 : vector<16xi32>
      %gather3A_504 = tpu.vector_load_idx %arg6[%broadcast_in_dim3A_484, %add3A_503] : memref<32x1024xf32, #tpu.memory_space<vmem>>[vector<16xi32>, vector<16xi32>], vector<16xf32>,
      %masked_sort3A_505 = arith.constant dense<true> : vector<16xi1>
      %masked_sort3A_506, %masked_sort3A_507, %masked_sort3A_508 = tpu.sort %gather3A_504, %add3A_503 masked %masked_sort3A_505 : (vector<16xf32>, vector<16xi32>, vector<16xi1>) -> (vector<16xi1>, vector<16xf32>, vector<16xi32>)
      %broadcast_in_dim3A_509 = arith.constant 2 : i32
      %broadcast_in_dim3A_510 = vector.broadcast %broadcast_in_dim3A_509 : i32 to vector<16x1xi32>
      %gather3A_511 = vector.shape_cast %broadcast_in_dim3A_510 : vector<16x1xi32> to vector<16xi32>
      %gather3A_512 = tpu.dynamic_gather %get3A_487[%gather3A_511] in [0] : vector<16xi32>, vector<16xi32> -> vector<16xi32>
      %broadcast_in_dim3A_513 = arith.constant 3 : i32
      %broadcast_in_dim3A_514 = vector.broadcast %broadcast_in_dim3A_513 : i32 to vector<16x1xi32>
      %gather3A_515 = vector.shape_cast %broadcast_in_dim3A_514 : vector<16x1xi32> to vector<16xi32>
      %gather3A_516 = tpu.dynamic_gather %get3A_487[%gather3A_515] in [0] : vector<16xi32>, vector<16xi32> -> vector<16xi32>
      %select_n3A_517 = arith.select %ge3A_490, %gather3A_516, %gather3A_512 : vector<16xi1>, vector<16xi32>
      %mul3A_518 = arith.constant 128 : i32
      %mul3A_519 = vector.broadcast %mul3A_518 : i32 to vector<16xi32>
      %mul3A_520 = arith.muli %mul3A_519, %and3A_6 : vector<16xi32>
      %add3A_521 = arith.addi %select_n3A_517, %mul3A_520 : vector<16xi32>
      %gather3A_522 = tpu.vector_load_idx %arg6[%broadcast_in_dim3A_484, %add3A_521] : memref<32x1024xf32, #tpu.memory_space<vmem>>[vector<16xi32>, vector<16xi32>], vector<16xf32>,
      %masked_sort3A_523 = arith.constant dense<true> : vector<16xi1>
      %masked_sort3A_524, %masked_sort3A_525, %masked_sort3A_526 = tpu.sort %gather3A_522, %add3A_521 masked %masked_sort3A_523 {descending = true} : (vector<16xf32>, vector<16xi32>, vector<16xi1>) -> (vector<16xi1>, vector<16xf32>, vector<16xi32>)
      %ge3A_527 = arith.cmpf oge, %masked_sort3A_507, %masked_sort3A_525 : vector<16xf32>
      %select_n3A_528 = arith.select %ge3A_527, %masked_sort3A_507, %masked_sort3A_525 : vector<16xi1>, vector<16xf32>
      %select_n3A_529 = arith.select %ge3A_527, %masked_sort3A_508, %masked_sort3A_526 : vector<16xi1>, vector<16xi32>
      %masked_sort3A_530 = arith.constant dense<true> : vector<16xi1>
      %masked_sort3A_531, %masked_sort3A_532, %masked_sort3A_533 = tpu.sort %select_n3A_528, %select_n3A_529 masked %masked_sort3A_530 : (vector<16xf32>, vector<16xi32>, vector<16xi1>) -> (vector<16xi1>, vector<16xf32>, vector<16xi32>)
      %broadcast_in_dim3A_534 = arith.constant 4 : i32
      %broadcast_in_dim3A_535 = vector.broadcast %broadcast_in_dim3A_534 : i32 to vector<16x1xi32>
      %gather3A_536 = vector.shape_cast %broadcast_in_dim3A_535 : vector<16x1xi32> to vector<16xi32>
      %gather3A_537 = tpu.dynamic_gather %get3A_487[%gather3A_536] in [0] : vector<16xi32>, vector<16xi32> -> vector<16xi32>
      %broadcast_in_dim3A_538 = arith.constant 5 : i32
      %broadcast_in_dim3A_539 = vector.broadcast %broadcast_in_dim3A_538 : i32 to vector<16x1xi32>
      %gather3A_540 = vector.shape_cast %broadcast_in_dim3A_539 : vector<16x1xi32> to vector<16xi32>
      %gather3A_541 = tpu.dynamic_gather %get3A_487[%gather3A_540] in [0] : vector<16xi32>, vector<16xi32> -> vector<16xi32>
      %select_n3A_542 = arith.select %ge3A_490, %gather3A_541, %gather3A_537 : vector<16xi1>, vector<16xi32>
      %mul3A_543 = arith.constant 128 : i32
      %mul3A_544 = vector.broadcast %mul3A_543 : i32 to vector<16xi32>
      %mul3A_545 = arith.muli %mul3A_544, %and3A_6 : vector<16xi32>
      %add3A_546 = arith.addi %select_n3A_542, %mul3A_545 : vector<16xi32>
      %gather3A_547 = tpu.vector_load_idx %arg6[%broadcast_in_dim3A_484, %add3A_546] : memref<32x1024xf32, #tpu.memory_space<vmem>>[vector<16xi32>, vector<16xi32>], vector<16xf32>,
      %masked_sort3A_548 = arith.constant dense<true> : vector<16xi1>
      %masked_sort3A_549, %masked_sort3A_550, %masked_sort3A_551 = tpu.sort %gather3A_547, %add3A_546 masked %masked_sort3A_548 {descending = true} : (vector<16xf32>, vector<16xi32>, vector<16xi1>) -> (vector<16xi1>, vector<16xf32>, vector<16xi32>)
      %ge3A_552 = arith.cmpf oge, %masked_sort3A_532, %masked_sort3A_550 : vector<16xf32>
      %select_n3A_553 = arith.select %ge3A_552, %masked_sort3A_532, %masked_sort3A_550 : vector<16xi1>, vector<16xf32>
      %select_n3A_554 = arith.select %ge3A_552, %masked_sort3A_533, %masked_sort3A_551 : vector<16xi1>, vector<16xi32>
      %masked_sort3A_555 = arith.constant dense<true> : vector<16xi1>
      %masked_sort3A_556, %masked_sort3A_557, %masked_sort3A_558 = tpu.sort %select_n3A_553, %select_n3A_554 masked %masked_sort3A_555 : (vector<16xf32>, vector<16xi32>, vector<16xi1>) -> (vector<16xi1>, vector<16xf32>, vector<16xi32>)
      %broadcast_in_dim3A_559 = arith.constant 6 : i32
      %broadcast_in_dim3A_560 = vector.broadcast %broadcast_in_dim3A_559 : i32 to vector<16x1xi32>
      %gather3A_561 = vector.shape_cast %broadcast_in_dim3A_560 : vector<16x1xi32> to vector<16xi32>
      %gather3A_562 = tpu.dynamic_gather %get3A_487[%gather3A_561] in [0] : vector<16xi32>, vector<16xi32> -> vector<16xi32>
      %broadcast_in_dim3A_563 = arith.constant 7 : i32
      %broadcast_in_dim3A_564 = vector.broadcast %broadcast_in_dim3A_563 : i32 to vector<16x1xi32>
      %gather3A_565 = vector.shape_cast %broadcast_in_dim3A_564 : vector<16x1xi32> to vector<16xi32>
      %gather3A_566 = tpu.dynamic_gather %get3A_487[%gather3A_565] in [0] : vector<16xi32>, vector<16xi32> -> vector<16xi32>
      %select_n3A_567 = arith.select %ge3A_490, %gather3A_566, %gather3A_562 : vector<16xi1>, vector<16xi32>
      %mul3A_568 = arith.constant 128 : i32
      %mul3A_569 = vector.broadcast %mul3A_568 : i32 to vector<16xi32>
      %mul3A_570 = arith.muli %mul3A_569, %and3A_6 : vector<16xi32>
      %add3A_571 = arith.addi %select_n3A_567, %mul3A_570 : vector<16xi32>
      %gather3A_572 = tpu.vector_load_idx %arg6[%broadcast_in_dim3A_484, %add3A_571] : memref<32x1024xf32, #tpu.memory_space<vmem>>[vector<16xi32>, vector<16xi32>], vector<16xf32>,
      %masked_sort3A_573 = arith.constant dense<true> : vector<16xi1>
      %masked_sort3A_574, %masked_sort3A_575, %masked_sort3A_576 = tpu.sort %gather3A_572, %add3A_571 masked %masked_sort3A_573 {descending = true} : (vector<16xf32>, vector<16xi32>, vector<16xi1>) -> (vector<16xi1>, vector<16xf32>, vector<16xi32>)
      %ge3A_577 = arith.cmpf oge, %masked_sort3A_557, %masked_sort3A_575 : vector<16xf32>
      %select_n3A_578 = arith.select %ge3A_577, %masked_sort3A_557, %masked_sort3A_575 : vector<16xi1>, vector<16xf32>
      %select_n3A_579 = arith.select %ge3A_577, %masked_sort3A_558, %masked_sort3A_576 : vector<16xi1>, vector<16xi32>
      %masked_sort3A_580 = arith.constant dense<true> : vector<16xi1>
      %masked_sort3A_581, %masked_sort3A_582, %masked_sort3A_583 = tpu.sort %select_n3A_578, %select_n3A_579 masked %masked_sort3A_580 : (vector<16xf32>, vector<16xi32>, vector<16xi1>) -> (vector<16xi1>, vector<16xf32>, vector<16xi32>)
      %broadcast_in_dim3A_584 = arith.constant 8 : i32
      %broadcast_in_dim3A_585 = vector.broadcast %broadcast_in_dim3A_584 : i32 to vector<16x1xi32>
      %gather3A_586 = vector.shape_cast %broadcast_in_dim3A_585 : vector<16x1xi32> to vector<16xi32>
      %gather3A_587 = tpu.dynamic_gather %get3A_487[%gather3A_586] in [0] : vector<16xi32>, vector<16xi32> -> vector<16xi32>
      %broadcast_in_dim3A_588 = arith.constant 9 : i32
      %broadcast_in_dim3A_589 = vector.broadcast %broadcast_in_dim3A_588 : i32 to vector<16x1xi32>
      %gather3A_590 = vector.shape_cast %broadcast_in_dim3A_589 : vector<16x1xi32> to vector<16xi32>
      %gather3A_591 = tpu.dynamic_gather %get3A_487[%gather3A_590] in [0] : vector<16xi32>, vector<16xi32> -> vector<16xi32>
      %select_n3A_592 = arith.select %ge3A_490, %gather3A_591, %gather3A_587 : vector<16xi1>, vector<16xi32>
      %mul3A_593 = arith.constant 128 : i32
      %mul3A_594 = vector.broadcast %mul3A_593 : i32 to vector<16xi32>
      %mul3A_595 = arith.muli %mul3A_594, %and3A_6 : vector<16xi32>
      %add3A_596 = arith.addi %select_n3A_592, %mul3A_595 : vector<16xi32>
      %gather3A_597 = tpu.vector_load_idx %arg6[%broadcast_in_dim3A_484, %add3A_596] : memref<32x1024xf32, #tpu.memory_space<vmem>>[vector<16xi32>, vector<16xi32>], vector<16xf32>,
      %masked_sort3A_598 = arith.constant dense<true> : vector<16xi1>
      %masked_sort3A_599, %masked_sort3A_600, %masked_sort3A_601 = tpu.sort %gather3A_597, %add3A_596 masked %masked_sort3A_598 {descending = true} : (vector<16xf32>, vector<16xi32>, vector<16xi1>) -> (vector<16xi1>, vector<16xf32>, vector<16xi32>)
      %ge3A_602 = arith.cmpf oge, %masked_sort3A_582, %masked_sort3A_600 : vector<16xf32>
      %select_n3A_603 = arith.select %ge3A_602, %masked_sort3A_582, %masked_sort3A_600 : vector<16xi1>, vector<16xf32>
      %select_n3A_604 = arith.select %ge3A_602, %masked_sort3A_583, %masked_sort3A_601 : vector<16xi1>, vector<16xi32>
      %masked_sort3A_605 = arith.constant dense<true> : vector<16xi1>
      %masked_sort3A_606, %masked_sort3A_607, %masked_sort3A_608 = tpu.sort %select_n3A_603, %select_n3A_604 masked %masked_sort3A_605 : (vector<16xf32>, vector<16xi32>, vector<16xi1>) -> (vector<16xi1>, vector<16xf32>, vector<16xi32>)
      %reduce_max3A_609 = arith.constant true
      %reduce_max3A_610 = vector.broadcast %reduce_max3A_609 : i1 to vector<16xi1>
      %reduce_max3A_611 = tpu.scan <max>, %masked_sort3A_607 masked %reduce_max3A_610 : vector<16xf32>, vector<16xi1> -> vector<16xf32>
      %reduce_max3A_612 = vector.extract %reduce_max3A_611[15] : f32 from vector<16xf32>
      %ge3A_613 = arith.constant 6 : i32
      %ge3A_614 = vector.broadcast %ge3A_613 : i32 to vector<16xi32>
      %ge3A_615 = arith.cmpi sge, %iota3A, %ge3A_614 : vector<16xi32>
      %sub3A_616 = vector.broadcast %reduce_max3A_612 : f32 to vector<16xf32>
      %sub3A_617 = arith.subf %masked_sort3A_607, %sub3A_616 : vector<16xf32>
      %exp3A_618 = math.exp %sub3A_617 : vector<16xf32>
      %jit3A_619 = arith.constant 0.000000e+00 : f32
      %broadcast_in_dim3A_620 = vector.broadcast %jit3A_619 : f32 to vector<16xf32>
      %select_n3A_621 = arith.select %ge3A_615, %exp3A_618, %broadcast_in_dim3A_620 : vector<16xi1>, vector<16xf32>
      %reduce_sum3A_622 = arith.constant true
      %reduce_sum3A_623 = vector.broadcast %reduce_sum3A_622 : i1 to vector<16xi1>
      %reduce_sum3A_624 = tpu.scan <sum>, %select_n3A_621 masked %reduce_sum3A_623 : vector<16xf32>, vector<16xi1> -> vector<16xf32>
      %reduce_sum3A_625 = vector.extract %reduce_sum3A_624[15] : f32 from vector<16xf32>
      %div3A_626 = vector.broadcast %reduce_sum3A_625 : f32 to vector<16xf32>
      %div3A_627 = arith.divf %select_n3A_621, %div3A_626 : vector<16xf32>
      %swap3A_628 = arith.index_cast %add3A_483 : i32 to index
      %swap3A_629 = arith.constant 0 : index
      %swap3A_630 = tpu.vector_load %arg9[%swap3A_628, %swap3A_629] {strides = array<i32>} : memref<32x16xf32, #tpu.memory_space<vmem>>, vector<16xf32>,
      tpu.vector_store %arg9[%swap3A_628, %swap3A_629], %div3A_627 {strides = array<i32>} : memref<32x16xf32, #tpu.memory_space<vmem>>, vector<16xf32>,
      %min3A_631 = arith.constant 999 : i32
      %min3A_632 = vector.broadcast %min3A_631 : i32 to vector<16xi32>
      %min3A_633 = arith.minsi %masked_sort3A_608, %min3A_632 : vector<16xi32>
      %mul3A_634 = arith.constant 16 : i32
      %mul3A_635 = arith.muli %add3A_483, %mul3A_634 : i32
      %multiple_of3A_636 = tpu.assume_multiple %mul3A_635, 16 : i32
      %swap3A_637 = arith.index_cast %multiple_of3A_636 : i32 to index
      %swap3A_638 = tpu.vector_load %arg8[%swap3A_637] {strides = array<i32>} : memref<512xi32, #tpu.memory_space<vmem>>, vector<16xi32>,
      tpu.vector_store %arg8[%swap3A_637], %min3A_633 {strides = array<i32>} : memref<512xi32, #tpu.memory_space<vmem>>, vector<16xi32>,
      %scan3A_639 = arith.constant 0 : i32
      scf.yield %scan3A_639 : i32
    }
    %scan3A_12 = arith.constant 8 : i32
    "tpu.trace_stop"() : () -> ()
    "tpu.trace_start"() <{level = 10 : i32, message = "sc_table_wait"}> : () -> ()
    tpu.wait_dma2 semaphore(%arg13 : memref<!tpu.dma_semaphore, #tpu.memory_space<semaphore_mem>>) src(%arg11 : memref<500x128xf32, #tpu.memory_space<vmem_shared>>) dst(%arg10 : memref<500x128xf32, #tpu.memory_space<vmem>>)
    "tpu.trace_stop"() : () -> ()
    "tpu.trace_start"() <{level = 10 : i32, message = "sc_combine"}> : () -> ()
    %scan3A_13 = arith.constant 0 : i32
    %scan3A_14 = arith.constant 0 : i32
    %scan3A_15 = arith.constant 32 : i32
    %scan3A_16 = arith.addi %scan3A_14, %scan3A_15 : i32
    %scan3A_17 = arith.constant 1 : i32
    %scan3A_18 = scf.for %scan3A_20 = %scan3A_14 to %scan3A_16 step %scan3A_17 iter_args(%scan3A_21 = %scan3A_13) -> (i32)  : i32 {
      %mul3A_22 = arith.constant 16 : i32
      %mul3A_23 = arith.muli %scan3A_20, %mul3A_22 : i32
      %multiple_of3A_24 = tpu.assume_multiple %mul3A_23, 16 : i32
      %get3A = arith.index_cast %multiple_of3A_24 : i32 to index
      %get3A_25 = tpu.vector_load %arg8[%get3A] {strides = array<i32>} : memref<512xi32, #tpu.memory_space<vmem>>, vector<16xi32>,
      %get3A_26 = arith.index_cast %scan3A_20 : i32 to index
      %get3A_27 = arith.constant 0 : index
      %get3A_28 = tpu.vector_load %arg9[%get3A_26, %get3A_27] {strides = array<i32>} : memref<32x16xf32, #tpu.memory_space<vmem>>, vector<16xf32>,
      %broadcast_in_dim3A = arith.constant 0.000000e+00 : f32
      %broadcast_in_dim3A_29 = vector.broadcast %broadcast_in_dim3A : f32 to vector<16xf32>
      %broadcast_in_dim3A_30 = arith.constant 0.000000e+00 : f32
      %broadcast_in_dim3A_31 = vector.broadcast %broadcast_in_dim3A_30 : f32 to vector<16xf32>
      %broadcast_in_dim3A_32 = arith.constant 0.000000e+00 : f32
      %broadcast_in_dim3A_33 = vector.broadcast %broadcast_in_dim3A_32 : f32 to vector<16xf32>
      %broadcast_in_dim3A_34 = arith.constant 0.000000e+00 : f32
      %broadcast_in_dim3A_35 = vector.broadcast %broadcast_in_dim3A_34 : f32 to vector<16xf32>
      %broadcast_in_dim3A_36 = arith.constant 6 : i32
      %broadcast_in_dim3A_37 = vector.broadcast %broadcast_in_dim3A_36 : i32 to vector<16x1xi32>
      %gather3A = vector.shape_cast %broadcast_in_dim3A_37 : vector<16x1xi32> to vector<16xi32>
      %gather3A_38 = tpu.dynamic_gather %get3A_25[%gather3A] in [0] : vector<16xi32>, vector<16xi32> -> vector<16xi32>
      %broadcast_in_dim3A_39 = arith.constant 6 : i32
      %broadcast_in_dim3A_40 = vector.broadcast %broadcast_in_dim3A_39 : i32 to vector<16x1xi32>
      %gather3A_41 = vector.shape_cast %broadcast_in_dim3A_40 : vector<16x1xi32> to vector<16xi32>
      %gather3A_42 = tpu.dynamic_gather %get3A_28[%gather3A_41] in [0] : vector<16xf32>, vector<16xi32> -> vector<16xf32>
      %shift_right_logical3A = arith.constant 1 : i32
      %shift_right_logical3A_43 = vector.broadcast %shift_right_logical3A : i32 to vector<16xi32>
      %shift_right_logical3A_44 = arith.shrui %gather3A_38, %shift_right_logical3A_43 : vector<16xi32>
      %and3A_45 = arith.constant 1 : i32
      %and3A_46 = vector.broadcast %and3A_45 : i32 to vector<16xi32>
      %and3A_47 = arith.andi %gather3A_38, %and3A_46 : vector<16xi32>
      %mul3A_48 = arith.constant 64 : i32
      %mul3A_49 = vector.broadcast %mul3A_48 : i32 to vector<16xi32>
      %mul3A_50 = arith.muli %and3A_47, %mul3A_49 : vector<16xi32>
      %add3A_51 = arith.constant 0 : i32
      %add3A_52 = vector.broadcast %add3A_51 : i32 to vector<16xi32>
      %add3A_53 = arith.addi %mul3A_50, %add3A_52 : vector<16xi32>
      %add3A_54 = arith.addi %add3A_53, %iota3A : vector<16xi32>
      %gather3A_55 = tpu.vector_load_idx %arg10[%shift_right_logical3A_44, %add3A_54] : memref<500x128xf32, #tpu.memory_space<vmem>>[vector<16xi32>, vector<16xi32>], vector<16xf32>,
      %mul3A_56 = arith.mulf %gather3A_42, %gather3A_55 : vector<16xf32>
      %add3A_57 = arith.addf %broadcast_in_dim3A_29, %mul3A_56 : vector<16xf32>
      %add3A_58 = arith.constant 16 : i32
      %add3A_59 = vector.broadcast %add3A_58 : i32 to vector<16xi32>
      %add3A_60 = arith.addi %mul3A_50, %add3A_59 : vector<16xi32>
      %add3A_61 = arith.addi %add3A_60, %iota3A : vector<16xi32>
      %gather3A_62 = tpu.vector_load_idx %arg10[%shift_right_logical3A_44, %add3A_61] : memref<500x128xf32, #tpu.memory_space<vmem>>[vector<16xi32>, vector<16xi32>], vector<16xf32>,
      %mul3A_63 = arith.mulf %gather3A_42, %gather3A_62 : vector<16xf32>
      %add3A_64 = arith.addf %broadcast_in_dim3A_31, %mul3A_63 : vector<16xf32>
      %add3A_65 = arith.constant 32 : i32
      %add3A_66 = vector.broadcast %add3A_65 : i32 to vector<16xi32>
      %add3A_67 = arith.addi %mul3A_50, %add3A_66 : vector<16xi32>
      %add3A_68 = arith.addi %add3A_67, %iota3A : vector<16xi32>
      %gather3A_69 = tpu.vector_load_idx %arg10[%shift_right_logical3A_44, %add3A_68] : memref<500x128xf32, #tpu.memory_space<vmem>>[vector<16xi32>, vector<16xi32>], vector<16xf32>,
      %mul3A_70 = arith.mulf %gather3A_42, %gather3A_69 : vector<16xf32>
      %add3A_71 = arith.addf %broadcast_in_dim3A_33, %mul3A_70 : vector<16xf32>
      %add3A_72 = arith.constant 48 : i32
      %add3A_73 = vector.broadcast %add3A_72 : i32 to vector<16xi32>
      %add3A_74 = arith.addi %mul3A_50, %add3A_73 : vector<16xi32>
      %add3A_75 = arith.addi %add3A_74, %iota3A : vector<16xi32>
      %gather3A_76 = tpu.vector_load_idx %arg10[%shift_right_logical3A_44, %add3A_75] : memref<500x128xf32, #tpu.memory_space<vmem>>[vector<16xi32>, vector<16xi32>], vector<16xf32>,
      %mul3A_77 = arith.mulf %gather3A_42, %gather3A_76 : vector<16xf32>
      %add3A_78 = arith.addf %broadcast_in_dim3A_35, %mul3A_77 : vector<16xf32>
      %broadcast_in_dim3A_79 = arith.constant 7 : i32
      %broadcast_in_dim3A_80 = vector.broadcast %broadcast_in_dim3A_79 : i32 to vector<16x1xi32>
      %gather3A_81 = vector.shape_cast %broadcast_in_dim3A_80 : vector<16x1xi32> to vector<16xi32>
      %gather3A_82 = tpu.dynamic_gather %get3A_25[%gather3A_81] in [0] : vector<16xi32>, vector<16xi32> -> vector<16xi32>
      %broadcast_in_dim3A_83 = arith.constant 7 : i32
      %broadcast_in_dim3A_84 = vector.broadcast %broadcast_in_dim3A_83 : i32 to vector<16x1xi32>
      %gather3A_85 = vector.shape_cast %broadcast_in_dim3A_84 : vector<16x1xi32> to vector<16xi32>
      %gather3A_86 = tpu.dynamic_gather %get3A_28[%gather3A_85] in [0] : vector<16xf32>, vector<16xi32> -> vector<16xf32>
      %shift_right_logical3A_87 = arith.constant 1 : i32
      %shift_right_logical3A_88 = vector.broadcast %shift_right_logical3A_87 : i32 to vector<16xi32>
      %shift_right_logical3A_89 = arith.shrui %gather3A_82, %shift_right_logical3A_88 : vector<16xi32>
      %and3A_90 = arith.constant 1 : i32
      %and3A_91 = vector.broadcast %and3A_90 : i32 to vector<16xi32>
      %and3A_92 = arith.andi %gather3A_82, %and3A_91 : vector<16xi32>
      %mul3A_93 = arith.constant 64 : i32
      %mul3A_94 = vector.broadcast %mul3A_93 : i32 to vector<16xi32>
      %mul3A_95 = arith.muli %and3A_92, %mul3A_94 : vector<16xi32>
      %add3A_96 = arith.constant 0 : i32
      %add3A_97 = vector.broadcast %add3A_96 : i32 to vector<16xi32>
      %add3A_98 = arith.addi %mul3A_95, %add3A_97 : vector<16xi32>
      %add3A_99 = arith.addi %add3A_98, %iota3A : vector<16xi32>
      %gather3A_100 = tpu.vector_load_idx %arg10[%shift_right_logical3A_89, %add3A_99] : memref<500x128xf32, #tpu.memory_space<vmem>>[vector<16xi32>, vector<16xi32>], vector<16xf32>,
      %mul3A_101 = arith.mulf %gather3A_86, %gather3A_100 : vector<16xf32>
      %add3A_102 = arith.addf %add3A_57, %mul3A_101 : vector<16xf32>
      %add3A_103 = arith.constant 16 : i32
      %add3A_104 = vector.broadcast %add3A_103 : i32 to vector<16xi32>
      %add3A_105 = arith.addi %mul3A_95, %add3A_104 : vector<16xi32>
      %add3A_106 = arith.addi %add3A_105, %iota3A : vector<16xi32>
      %gather3A_107 = tpu.vector_load_idx %arg10[%shift_right_logical3A_89, %add3A_106] : memref<500x128xf32, #tpu.memory_space<vmem>>[vector<16xi32>, vector<16xi32>], vector<16xf32>,
      %mul3A_108 = arith.mulf %gather3A_86, %gather3A_107 : vector<16xf32>
      %add3A_109 = arith.addf %add3A_64, %mul3A_108 : vector<16xf32>
      %add3A_110 = arith.constant 32 : i32
      %add3A_111 = vector.broadcast %add3A_110 : i32 to vector<16xi32>
      %add3A_112 = arith.addi %mul3A_95, %add3A_111 : vector<16xi32>
      %add3A_113 = arith.addi %add3A_112, %iota3A : vector<16xi32>
      %gather3A_114 = tpu.vector_load_idx %arg10[%shift_right_logical3A_89, %add3A_113] : memref<500x128xf32, #tpu.memory_space<vmem>>[vector<16xi32>, vector<16xi32>], vector<16xf32>,
      %mul3A_115 = arith.mulf %gather3A_86, %gather3A_114 : vector<16xf32>
      %add3A_116 = arith.addf %add3A_71, %mul3A_115 : vector<16xf32>
      %add3A_117 = arith.constant 48 : i32
      %add3A_118 = vector.broadcast %add3A_117 : i32 to vector<16xi32>
      %add3A_119 = arith.addi %mul3A_95, %add3A_118 : vector<16xi32>
      %add3A_120 = arith.addi %add3A_119, %iota3A : vector<16xi32>
      %gather3A_121 = tpu.vector_load_idx %arg10[%shift_right_logical3A_89, %add3A_120] : memref<500x128xf32, #tpu.memory_space<vmem>>[vector<16xi32>, vector<16xi32>], vector<16xf32>,
      %mul3A_122 = arith.mulf %gather3A_86, %gather3A_121 : vector<16xf32>
      %add3A_123 = arith.addf %add3A_78, %mul3A_122 : vector<16xf32>
      %broadcast_in_dim3A_124 = arith.constant 8 : i32
      %broadcast_in_dim3A_125 = vector.broadcast %broadcast_in_dim3A_124 : i32 to vector<16x1xi32>
      %gather3A_126 = vector.shape_cast %broadcast_in_dim3A_125 : vector<16x1xi32> to vector<16xi32>
      %gather3A_127 = tpu.dynamic_gather %get3A_25[%gather3A_126] in [0] : vector<16xi32>, vector<16xi32> -> vector<16xi32>
      %broadcast_in_dim3A_128 = arith.constant 8 : i32
      %broadcast_in_dim3A_129 = vector.broadcast %broadcast_in_dim3A_128 : i32 to vector<16x1xi32>
      %gather3A_130 = vector.shape_cast %broadcast_in_dim3A_129 : vector<16x1xi32> to vector<16xi32>
      %gather3A_131 = tpu.dynamic_gather %get3A_28[%gather3A_130] in [0] : vector<16xf32>, vector<16xi32> -> vector<16xf32>
      %shift_right_logical3A_132 = arith.constant 1 : i32
      %shift_right_logical3A_133 = vector.broadcast %shift_right_logical3A_132 : i32 to vector<16xi32>
      %shift_right_logical3A_134 = arith.shrui %gather3A_127, %shift_right_logical3A_133 : vector<16xi32>
      %and3A_135 = arith.constant 1 : i32
      %and3A_136 = vector.broadcast %and3A_135 : i32 to vector<16xi32>
      %and3A_137 = arith.andi %gather3A_127, %and3A_136 : vector<16xi32>
      %mul3A_138 = arith.constant 64 : i32
      %mul3A_139 = vector.broadcast %mul3A_138 : i32 to vector<16xi32>
      %mul3A_140 = arith.muli %and3A_137, %mul3A_139 : vector<16xi32>
      %add3A_141 = arith.constant 0 : i32
      %add3A_142 = vector.broadcast %add3A_141 : i32 to vector<16xi32>
      %add3A_143 = arith.addi %mul3A_140, %add3A_142 : vector<16xi32>
      %add3A_144 = arith.addi %add3A_143, %iota3A : vector<16xi32>
      %gather3A_145 = tpu.vector_load_idx %arg10[%shift_right_logical3A_134, %add3A_144] : memref<500x128xf32, #tpu.memory_space<vmem>>[vector<16xi32>, vector<16xi32>], vector<16xf32>,
      %mul3A_146 = arith.mulf %gather3A_131, %gather3A_145 : vector<16xf32>
      %add3A_147 = arith.addf %add3A_102, %mul3A_146 : vector<16xf32>
      %add3A_148 = arith.constant 16 : i32
      %add3A_149 = vector.broadcast %add3A_148 : i32 to vector<16xi32>
      %add3A_150 = arith.addi %mul3A_140, %add3A_149 : vector<16xi32>
      %add3A_151 = arith.addi %add3A_150, %iota3A : vector<16xi32>
      %gather3A_152 = tpu.vector_load_idx %arg10[%shift_right_logical3A_134, %add3A_151] : memref<500x128xf32, #tpu.memory_space<vmem>>[vector<16xi32>, vector<16xi32>], vector<16xf32>,
      %mul3A_153 = arith.mulf %gather3A_131, %gather3A_152 : vector<16xf32>
      %add3A_154 = arith.addf %add3A_109, %mul3A_153 : vector<16xf32>
      %add3A_155 = arith.constant 32 : i32
      %add3A_156 = vector.broadcast %add3A_155 : i32 to vector<16xi32>
      %add3A_157 = arith.addi %mul3A_140, %add3A_156 : vector<16xi32>
      %add3A_158 = arith.addi %add3A_157, %iota3A : vector<16xi32>
      %gather3A_159 = tpu.vector_load_idx %arg10[%shift_right_logical3A_134, %add3A_158] : memref<500x128xf32, #tpu.memory_space<vmem>>[vector<16xi32>, vector<16xi32>], vector<16xf32>,
      %mul3A_160 = arith.mulf %gather3A_131, %gather3A_159 : vector<16xf32>
      %add3A_161 = arith.addf %add3A_116, %mul3A_160 : vector<16xf32>
      %add3A_162 = arith.constant 48 : i32
      %add3A_163 = vector.broadcast %add3A_162 : i32 to vector<16xi32>
      %add3A_164 = arith.addi %mul3A_140, %add3A_163 : vector<16xi32>
      %add3A_165 = arith.addi %add3A_164, %iota3A : vector<16xi32>
      %gather3A_166 = tpu.vector_load_idx %arg10[%shift_right_logical3A_134, %add3A_165] : memref<500x128xf32, #tpu.memory_space<vmem>>[vector<16xi32>, vector<16xi32>], vector<16xf32>,
      %mul3A_167 = arith.mulf %gather3A_131, %gather3A_166 : vector<16xf32>
      %add3A_168 = arith.addf %add3A_123, %mul3A_167 : vector<16xf32>
      %broadcast_in_dim3A_169 = arith.constant 9 : i32
      %broadcast_in_dim3A_170 = vector.broadcast %broadcast_in_dim3A_169 : i32 to vector<16x1xi32>
      %gather3A_171 = vector.shape_cast %broadcast_in_dim3A_170 : vector<16x1xi32> to vector<16xi32>
      %gather3A_172 = tpu.dynamic_gather %get3A_25[%gather3A_171] in [0] : vector<16xi32>, vector<16xi32> -> vector<16xi32>
      %broadcast_in_dim3A_173 = arith.constant 9 : i32
      %broadcast_in_dim3A_174 = vector.broadcast %broadcast_in_dim3A_173 : i32 to vector<16x1xi32>
      %gather3A_175 = vector.shape_cast %broadcast_in_dim3A_174 : vector<16x1xi32> to vector<16xi32>
      %gather3A_176 = tpu.dynamic_gather %get3A_28[%gather3A_175] in [0] : vector<16xf32>, vector<16xi32> -> vector<16xf32>
      %shift_right_logical3A_177 = arith.constant 1 : i32
      %shift_right_logical3A_178 = vector.broadcast %shift_right_logical3A_177 : i32 to vector<16xi32>
      %shift_right_logical3A_179 = arith.shrui %gather3A_172, %shift_right_logical3A_178 : vector<16xi32>
      %and3A_180 = arith.constant 1 : i32
      %and3A_181 = vector.broadcast %and3A_180 : i32 to vector<16xi32>
      %and3A_182 = arith.andi %gather3A_172, %and3A_181 : vector<16xi32>
      %mul3A_183 = arith.constant 64 : i32
      %mul3A_184 = vector.broadcast %mul3A_183 : i32 to vector<16xi32>
      %mul3A_185 = arith.muli %and3A_182, %mul3A_184 : vector<16xi32>
      %add3A_186 = arith.constant 0 : i32
      %add3A_187 = vector.broadcast %add3A_186 : i32 to vector<16xi32>
      %add3A_188 = arith.addi %mul3A_185, %add3A_187 : vector<16xi32>
      %add3A_189 = arith.addi %add3A_188, %iota3A : vector<16xi32>
      %gather3A_190 = tpu.vector_load_idx %arg10[%shift_right_logical3A_179, %add3A_189] : memref<500x128xf32, #tpu.memory_space<vmem>>[vector<16xi32>, vector<16xi32>], vector<16xf32>,
      %mul3A_191 = arith.mulf %gather3A_176, %gather3A_190 : vector<16xf32>
      %add3A_192 = arith.addf %add3A_147, %mul3A_191 : vector<16xf32>
      %add3A_193 = arith.constant 16 : i32
      %add3A_194 = vector.broadcast %add3A_193 : i32 to vector<16xi32>
      %add3A_195 = arith.addi %mul3A_185, %add3A_194 : vector<16xi32>
      %add3A_196 = arith.addi %add3A_195, %iota3A : vector<16xi32>
      %gather3A_197 = tpu.vector_load_idx %arg10[%shift_right_logical3A_179, %add3A_196] : memref<500x128xf32, #tpu.memory_space<vmem>>[vector<16xi32>, vector<16xi32>], vector<16xf32>,
      %mul3A_198 = arith.mulf %gather3A_176, %gather3A_197 : vector<16xf32>
      %add3A_199 = arith.addf %add3A_154, %mul3A_198 : vector<16xf32>
      %add3A_200 = arith.constant 32 : i32
      %add3A_201 = vector.broadcast %add3A_200 : i32 to vector<16xi32>
      %add3A_202 = arith.addi %mul3A_185, %add3A_201 : vector<16xi32>
      %add3A_203 = arith.addi %add3A_202, %iota3A : vector<16xi32>
      %gather3A_204 = tpu.vector_load_idx %arg10[%shift_right_logical3A_179, %add3A_203] : memref<500x128xf32, #tpu.memory_space<vmem>>[vector<16xi32>, vector<16xi32>], vector<16xf32>,
      %mul3A_205 = arith.mulf %gather3A_176, %gather3A_204 : vector<16xf32>
      %add3A_206 = arith.addf %add3A_161, %mul3A_205 : vector<16xf32>
      %add3A_207 = arith.constant 48 : i32
      %add3A_208 = vector.broadcast %add3A_207 : i32 to vector<16xi32>
      %add3A_209 = arith.addi %mul3A_185, %add3A_208 : vector<16xi32>
      %add3A_210 = arith.addi %add3A_209, %iota3A : vector<16xi32>
      %gather3A_211 = tpu.vector_load_idx %arg10[%shift_right_logical3A_179, %add3A_210] : memref<500x128xf32, #tpu.memory_space<vmem>>[vector<16xi32>, vector<16xi32>], vector<16xf32>,
      %mul3A_212 = arith.mulf %gather3A_176, %gather3A_211 : vector<16xf32>
      %add3A_213 = arith.addf %add3A_168, %mul3A_212 : vector<16xf32>
      %broadcast_in_dim3A_214 = arith.constant 10 : i32
      %broadcast_in_dim3A_215 = vector.broadcast %broadcast_in_dim3A_214 : i32 to vector<16x1xi32>
      %gather3A_216 = vector.shape_cast %broadcast_in_dim3A_215 : vector<16x1xi32> to vector<16xi32>
      %gather3A_217 = tpu.dynamic_gather %get3A_25[%gather3A_216] in [0] : vector<16xi32>, vector<16xi32> -> vector<16xi32>
      %broadcast_in_dim3A_218 = arith.constant 10 : i32
      %broadcast_in_dim3A_219 = vector.broadcast %broadcast_in_dim3A_218 : i32 to vector<16x1xi32>
      %gather3A_220 = vector.shape_cast %broadcast_in_dim3A_219 : vector<16x1xi32> to vector<16xi32>
      %gather3A_221 = tpu.dynamic_gather %get3A_28[%gather3A_220] in [0] : vector<16xf32>, vector<16xi32> -> vector<16xf32>
      %shift_right_logical3A_222 = arith.constant 1 : i32
      %shift_right_logical3A_223 = vector.broadcast %shift_right_logical3A_222 : i32 to vector<16xi32>
      %shift_right_logical3A_224 = arith.shrui %gather3A_217, %shift_right_logical3A_223 : vector<16xi32>
      %and3A_225 = arith.constant 1 : i32
      %and3A_226 = vector.broadcast %and3A_225 : i32 to vector<16xi32>
      %and3A_227 = arith.andi %gather3A_217, %and3A_226 : vector<16xi32>
      %mul3A_228 = arith.constant 64 : i32
      %mul3A_229 = vector.broadcast %mul3A_228 : i32 to vector<16xi32>
      %mul3A_230 = arith.muli %and3A_227, %mul3A_229 : vector<16xi32>
      %add3A_231 = arith.constant 0 : i32
      %add3A_232 = vector.broadcast %add3A_231 : i32 to vector<16xi32>
      %add3A_233 = arith.addi %mul3A_230, %add3A_232 : vector<16xi32>
      %add3A_234 = arith.addi %add3A_233, %iota3A : vector<16xi32>
      %gather3A_235 = tpu.vector_load_idx %arg10[%shift_right_logical3A_224, %add3A_234] : memref<500x128xf32, #tpu.memory_space<vmem>>[vector<16xi32>, vector<16xi32>], vector<16xf32>,
      %mul3A_236 = arith.mulf %gather3A_221, %gather3A_235 : vector<16xf32>
      %add3A_237 = arith.addf %add3A_192, %mul3A_236 : vector<16xf32>
      %add3A_238 = arith.constant 16 : i32
      %add3A_239 = vector.broadcast %add3A_238 : i32 to vector<16xi32>
      %add3A_240 = arith.addi %mul3A_230, %add3A_239 : vector<16xi32>
      %add3A_241 = arith.addi %add3A_240, %iota3A : vector<16xi32>
      %gather3A_242 = tpu.vector_load_idx %arg10[%shift_right_logical3A_224, %add3A_241] : memref<500x128xf32, #tpu.memory_space<vmem>>[vector<16xi32>, vector<16xi32>], vector<16xf32>,
      %mul3A_243 = arith.mulf %gather3A_221, %gather3A_242 : vector<16xf32>
      %add3A_244 = arith.addf %add3A_199, %mul3A_243 : vector<16xf32>
      %add3A_245 = arith.constant 32 : i32
      %add3A_246 = vector.broadcast %add3A_245 : i32 to vector<16xi32>
      %add3A_247 = arith.addi %mul3A_230, %add3A_246 : vector<16xi32>
      %add3A_248 = arith.addi %add3A_247, %iota3A : vector<16xi32>
      %gather3A_249 = tpu.vector_load_idx %arg10[%shift_right_logical3A_224, %add3A_248] : memref<500x128xf32, #tpu.memory_space<vmem>>[vector<16xi32>, vector<16xi32>], vector<16xf32>,
      %mul3A_250 = arith.mulf %gather3A_221, %gather3A_249 : vector<16xf32>
      %add3A_251 = arith.addf %add3A_206, %mul3A_250 : vector<16xf32>
      %add3A_252 = arith.constant 48 : i32
      %add3A_253 = vector.broadcast %add3A_252 : i32 to vector<16xi32>
      %add3A_254 = arith.addi %mul3A_230, %add3A_253 : vector<16xi32>
      %add3A_255 = arith.addi %add3A_254, %iota3A : vector<16xi32>
      %gather3A_256 = tpu.vector_load_idx %arg10[%shift_right_logical3A_224, %add3A_255] : memref<500x128xf32, #tpu.memory_space<vmem>>[vector<16xi32>, vector<16xi32>], vector<16xf32>,
      %mul3A_257 = arith.mulf %gather3A_221, %gather3A_256 : vector<16xf32>
      %add3A_258 = arith.addf %add3A_213, %mul3A_257 : vector<16xf32>
      %broadcast_in_dim3A_259 = arith.constant 11 : i32
      %broadcast_in_dim3A_260 = vector.broadcast %broadcast_in_dim3A_259 : i32 to vector<16x1xi32>
      %gather3A_261 = vector.shape_cast %broadcast_in_dim3A_260 : vector<16x1xi32> to vector<16xi32>
      %gather3A_262 = tpu.dynamic_gather %get3A_25[%gather3A_261] in [0] : vector<16xi32>, vector<16xi32> -> vector<16xi32>
      %broadcast_in_dim3A_263 = arith.constant 11 : i32
      %broadcast_in_dim3A_264 = vector.broadcast %broadcast_in_dim3A_263 : i32 to vector<16x1xi32>
      %gather3A_265 = vector.shape_cast %broadcast_in_dim3A_264 : vector<16x1xi32> to vector<16xi32>
      %gather3A_266 = tpu.dynamic_gather %get3A_28[%gather3A_265] in [0] : vector<16xf32>, vector<16xi32> -> vector<16xf32>
      %shift_right_logical3A_267 = arith.constant 1 : i32
      %shift_right_logical3A_268 = vector.broadcast %shift_right_logical3A_267 : i32 to vector<16xi32>
      %shift_right_logical3A_269 = arith.shrui %gather3A_262, %shift_right_logical3A_268 : vector<16xi32>
      %and3A_270 = arith.constant 1 : i32
      %and3A_271 = vector.broadcast %and3A_270 : i32 to vector<16xi32>
      %and3A_272 = arith.andi %gather3A_262, %and3A_271 : vector<16xi32>
      %mul3A_273 = arith.constant 64 : i32
      %mul3A_274 = vector.broadcast %mul3A_273 : i32 to vector<16xi32>
      %mul3A_275 = arith.muli %and3A_272, %mul3A_274 : vector<16xi32>
      %add3A_276 = arith.constant 0 : i32
      %add3A_277 = vector.broadcast %add3A_276 : i32 to vector<16xi32>
      %add3A_278 = arith.addi %mul3A_275, %add3A_277 : vector<16xi32>
      %add3A_279 = arith.addi %add3A_278, %iota3A : vector<16xi32>
      %gather3A_280 = tpu.vector_load_idx %arg10[%shift_right_logical3A_269, %add3A_279] : memref<500x128xf32, #tpu.memory_space<vmem>>[vector<16xi32>, vector<16xi32>], vector<16xf32>,
      %mul3A_281 = arith.mulf %gather3A_266, %gather3A_280 : vector<16xf32>
      %add3A_282 = arith.addf %add3A_237, %mul3A_281 : vector<16xf32>
      %add3A_283 = arith.constant 16 : i32
      %add3A_284 = vector.broadcast %add3A_283 : i32 to vector<16xi32>
      %add3A_285 = arith.addi %mul3A_275, %add3A_284 : vector<16xi32>
      %add3A_286 = arith.addi %add3A_285, %iota3A : vector<16xi32>
      %gather3A_287 = tpu.vector_load_idx %arg10[%shift_right_logical3A_269, %add3A_286] : memref<500x128xf32, #tpu.memory_space<vmem>>[vector<16xi32>, vector<16xi32>], vector<16xf32>,
      %mul3A_288 = arith.mulf %gather3A_266, %gather3A_287 : vector<16xf32>
      %add3A_289 = arith.addf %add3A_244, %mul3A_288 : vector<16xf32>
      %add3A_290 = arith.constant 32 : i32
      %add3A_291 = vector.broadcast %add3A_290 : i32 to vector<16xi32>
      %add3A_292 = arith.addi %mul3A_275, %add3A_291 : vector<16xi32>
      %add3A_293 = arith.addi %add3A_292, %iota3A : vector<16xi32>
      %gather3A_294 = tpu.vector_load_idx %arg10[%shift_right_logical3A_269, %add3A_293] : memref<500x128xf32, #tpu.memory_space<vmem>>[vector<16xi32>, vector<16xi32>], vector<16xf32>,
      %mul3A_295 = arith.mulf %gather3A_266, %gather3A_294 : vector<16xf32>
      %add3A_296 = arith.addf %add3A_251, %mul3A_295 : vector<16xf32>
      %add3A_297 = arith.constant 48 : i32
      %add3A_298 = vector.broadcast %add3A_297 : i32 to vector<16xi32>
      %add3A_299 = arith.addi %mul3A_275, %add3A_298 : vector<16xi32>
      %add3A_300 = arith.addi %add3A_299, %iota3A : vector<16xi32>
      %gather3A_301 = tpu.vector_load_idx %arg10[%shift_right_logical3A_269, %add3A_300] : memref<500x128xf32, #tpu.memory_space<vmem>>[vector<16xi32>, vector<16xi32>], vector<16xf32>,
      %mul3A_302 = arith.mulf %gather3A_266, %gather3A_301 : vector<16xf32>
      %add3A_303 = arith.addf %add3A_258, %mul3A_302 : vector<16xf32>
      %broadcast_in_dim3A_304 = arith.constant 12 : i32
      %broadcast_in_dim3A_305 = vector.broadcast %broadcast_in_dim3A_304 : i32 to vector<16x1xi32>
      %gather3A_306 = vector.shape_cast %broadcast_in_dim3A_305 : vector<16x1xi32> to vector<16xi32>
      %gather3A_307 = tpu.dynamic_gather %get3A_25[%gather3A_306] in [0] : vector<16xi32>, vector<16xi32> -> vector<16xi32>
      %broadcast_in_dim3A_308 = arith.constant 12 : i32
      %broadcast_in_dim3A_309 = vector.broadcast %broadcast_in_dim3A_308 : i32 to vector<16x1xi32>
      %gather3A_310 = vector.shape_cast %broadcast_in_dim3A_309 : vector<16x1xi32> to vector<16xi32>
      %gather3A_311 = tpu.dynamic_gather %get3A_28[%gather3A_310] in [0] : vector<16xf32>, vector<16xi32> -> vector<16xf32>
      %shift_right_logical3A_312 = arith.constant 1 : i32
      %shift_right_logical3A_313 = vector.broadcast %shift_right_logical3A_312 : i32 to vector<16xi32>
      %shift_right_logical3A_314 = arith.shrui %gather3A_307, %shift_right_logical3A_313 : vector<16xi32>
      %and3A_315 = arith.constant 1 : i32
      %and3A_316 = vector.broadcast %and3A_315 : i32 to vector<16xi32>
      %and3A_317 = arith.andi %gather3A_307, %and3A_316 : vector<16xi32>
      %mul3A_318 = arith.constant 64 : i32
      %mul3A_319 = vector.broadcast %mul3A_318 : i32 to vector<16xi32>
      %mul3A_320 = arith.muli %and3A_317, %mul3A_319 : vector<16xi32>
      %add3A_321 = arith.constant 0 : i32
      %add3A_322 = vector.broadcast %add3A_321 : i32 to vector<16xi32>
      %add3A_323 = arith.addi %mul3A_320, %add3A_322 : vector<16xi32>
      %add3A_324 = arith.addi %add3A_323, %iota3A : vector<16xi32>
      %gather3A_325 = tpu.vector_load_idx %arg10[%shift_right_logical3A_314, %add3A_324] : memref<500x128xf32, #tpu.memory_space<vmem>>[vector<16xi32>, vector<16xi32>], vector<16xf32>,
      %mul3A_326 = arith.mulf %gather3A_311, %gather3A_325 : vector<16xf32>
      %add3A_327 = arith.addf %add3A_282, %mul3A_326 : vector<16xf32>
      %add3A_328 = arith.constant 16 : i32
      %add3A_329 = vector.broadcast %add3A_328 : i32 to vector<16xi32>
      %add3A_330 = arith.addi %mul3A_320, %add3A_329 : vector<16xi32>
      %add3A_331 = arith.addi %add3A_330, %iota3A : vector<16xi32>
      %gather3A_332 = tpu.vector_load_idx %arg10[%shift_right_logical3A_314, %add3A_331] : memref<500x128xf32, #tpu.memory_space<vmem>>[vector<16xi32>, vector<16xi32>], vector<16xf32>,
      %mul3A_333 = arith.mulf %gather3A_311, %gather3A_332 : vector<16xf32>
      %add3A_334 = arith.addf %add3A_289, %mul3A_333 : vector<16xf32>
      %add3A_335 = arith.constant 32 : i32
      %add3A_336 = vector.broadcast %add3A_335 : i32 to vector<16xi32>
      %add3A_337 = arith.addi %mul3A_320, %add3A_336 : vector<16xi32>
      %add3A_338 = arith.addi %add3A_337, %iota3A : vector<16xi32>
      %gather3A_339 = tpu.vector_load_idx %arg10[%shift_right_logical3A_314, %add3A_338] : memref<500x128xf32, #tpu.memory_space<vmem>>[vector<16xi32>, vector<16xi32>], vector<16xf32>,
      %mul3A_340 = arith.mulf %gather3A_311, %gather3A_339 : vector<16xf32>
      %add3A_341 = arith.addf %add3A_296, %mul3A_340 : vector<16xf32>
      %add3A_342 = arith.constant 48 : i32
      %add3A_343 = vector.broadcast %add3A_342 : i32 to vector<16xi32>
      %add3A_344 = arith.addi %mul3A_320, %add3A_343 : vector<16xi32>
      %add3A_345 = arith.addi %add3A_344, %iota3A : vector<16xi32>
      %gather3A_346 = tpu.vector_load_idx %arg10[%shift_right_logical3A_314, %add3A_345] : memref<500x128xf32, #tpu.memory_space<vmem>>[vector<16xi32>, vector<16xi32>], vector<16xf32>,
      %mul3A_347 = arith.mulf %gather3A_311, %gather3A_346 : vector<16xf32>
      %add3A_348 = arith.addf %add3A_303, %mul3A_347 : vector<16xf32>
      %broadcast_in_dim3A_349 = arith.constant 13 : i32
      %broadcast_in_dim3A_350 = vector.broadcast %broadcast_in_dim3A_349 : i32 to vector<16x1xi32>
      %gather3A_351 = vector.shape_cast %broadcast_in_dim3A_350 : vector<16x1xi32> to vector<16xi32>
      %gather3A_352 = tpu.dynamic_gather %get3A_25[%gather3A_351] in [0] : vector<16xi32>, vector<16xi32> -> vector<16xi32>
      %broadcast_in_dim3A_353 = arith.constant 13 : i32
      %broadcast_in_dim3A_354 = vector.broadcast %broadcast_in_dim3A_353 : i32 to vector<16x1xi32>
      %gather3A_355 = vector.shape_cast %broadcast_in_dim3A_354 : vector<16x1xi32> to vector<16xi32>
      %gather3A_356 = tpu.dynamic_gather %get3A_28[%gather3A_355] in [0] : vector<16xf32>, vector<16xi32> -> vector<16xf32>
      %shift_right_logical3A_357 = arith.constant 1 : i32
      %shift_right_logical3A_358 = vector.broadcast %shift_right_logical3A_357 : i32 to vector<16xi32>
      %shift_right_logical3A_359 = arith.shrui %gather3A_352, %shift_right_logical3A_358 : vector<16xi32>
      %and3A_360 = arith.constant 1 : i32
      %and3A_361 = vector.broadcast %and3A_360 : i32 to vector<16xi32>
      %and3A_362 = arith.andi %gather3A_352, %and3A_361 : vector<16xi32>
      %mul3A_363 = arith.constant 64 : i32
      %mul3A_364 = vector.broadcast %mul3A_363 : i32 to vector<16xi32>
      %mul3A_365 = arith.muli %and3A_362, %mul3A_364 : vector<16xi32>
      %add3A_366 = arith.constant 0 : i32
      %add3A_367 = vector.broadcast %add3A_366 : i32 to vector<16xi32>
      %add3A_368 = arith.addi %mul3A_365, %add3A_367 : vector<16xi32>
      %add3A_369 = arith.addi %add3A_368, %iota3A : vector<16xi32>
      %gather3A_370 = tpu.vector_load_idx %arg10[%shift_right_logical3A_359, %add3A_369] : memref<500x128xf32, #tpu.memory_space<vmem>>[vector<16xi32>, vector<16xi32>], vector<16xf32>,
      %mul3A_371 = arith.mulf %gather3A_356, %gather3A_370 : vector<16xf32>
      %add3A_372 = arith.addf %add3A_327, %mul3A_371 : vector<16xf32>
      %add3A_373 = arith.constant 16 : i32
      %add3A_374 = vector.broadcast %add3A_373 : i32 to vector<16xi32>
      %add3A_375 = arith.addi %mul3A_365, %add3A_374 : vector<16xi32>
      %add3A_376 = arith.addi %add3A_375, %iota3A : vector<16xi32>
      %gather3A_377 = tpu.vector_load_idx %arg10[%shift_right_logical3A_359, %add3A_376] : memref<500x128xf32, #tpu.memory_space<vmem>>[vector<16xi32>, vector<16xi32>], vector<16xf32>,
      %mul3A_378 = arith.mulf %gather3A_356, %gather3A_377 : vector<16xf32>
      %add3A_379 = arith.addf %add3A_334, %mul3A_378 : vector<16xf32>
      %add3A_380 = arith.constant 32 : i32
      %add3A_381 = vector.broadcast %add3A_380 : i32 to vector<16xi32>
      %add3A_382 = arith.addi %mul3A_365, %add3A_381 : vector<16xi32>
      %add3A_383 = arith.addi %add3A_382, %iota3A : vector<16xi32>
      %gather3A_384 = tpu.vector_load_idx %arg10[%shift_right_logical3A_359, %add3A_383] : memref<500x128xf32, #tpu.memory_space<vmem>>[vector<16xi32>, vector<16xi32>], vector<16xf32>,
      %mul3A_385 = arith.mulf %gather3A_356, %gather3A_384 : vector<16xf32>
      %add3A_386 = arith.addf %add3A_341, %mul3A_385 : vector<16xf32>
      %add3A_387 = arith.constant 48 : i32
      %add3A_388 = vector.broadcast %add3A_387 : i32 to vector<16xi32>
      %add3A_389 = arith.addi %mul3A_365, %add3A_388 : vector<16xi32>
      %add3A_390 = arith.addi %add3A_389, %iota3A : vector<16xi32>
      %gather3A_391 = tpu.vector_load_idx %arg10[%shift_right_logical3A_359, %add3A_390] : memref<500x128xf32, #tpu.memory_space<vmem>>[vector<16xi32>, vector<16xi32>], vector<16xf32>,
      %mul3A_392 = arith.mulf %gather3A_356, %gather3A_391 : vector<16xf32>
      %add3A_393 = arith.addf %add3A_348, %mul3A_392 : vector<16xf32>
      %broadcast_in_dim3A_394 = arith.constant 14 : i32
      %broadcast_in_dim3A_395 = vector.broadcast %broadcast_in_dim3A_394 : i32 to vector<16x1xi32>
      %gather3A_396 = vector.shape_cast %broadcast_in_dim3A_395 : vector<16x1xi32> to vector<16xi32>
      %gather3A_397 = tpu.dynamic_gather %get3A_25[%gather3A_396] in [0] : vector<16xi32>, vector<16xi32> -> vector<16xi32>
      %broadcast_in_dim3A_398 = arith.constant 14 : i32
      %broadcast_in_dim3A_399 = vector.broadcast %broadcast_in_dim3A_398 : i32 to vector<16x1xi32>
      %gather3A_400 = vector.shape_cast %broadcast_in_dim3A_399 : vector<16x1xi32> to vector<16xi32>
      %gather3A_401 = tpu.dynamic_gather %get3A_28[%gather3A_400] in [0] : vector<16xf32>, vector<16xi32> -> vector<16xf32>
      %shift_right_logical3A_402 = arith.constant 1 : i32
      %shift_right_logical3A_403 = vector.broadcast %shift_right_logical3A_402 : i32 to vector<16xi32>
      %shift_right_logical3A_404 = arith.shrui %gather3A_397, %shift_right_logical3A_403 : vector<16xi32>
      %and3A_405 = arith.constant 1 : i32
      %and3A_406 = vector.broadcast %and3A_405 : i32 to vector<16xi32>
      %and3A_407 = arith.andi %gather3A_397, %and3A_406 : vector<16xi32>
      %mul3A_408 = arith.constant 64 : i32
      %mul3A_409 = vector.broadcast %mul3A_408 : i32 to vector<16xi32>
      %mul3A_410 = arith.muli %and3A_407, %mul3A_409 : vector<16xi32>
      %add3A_411 = arith.constant 0 : i32
      %add3A_412 = vector.broadcast %add3A_411 : i32 to vector<16xi32>
      %add3A_413 = arith.addi %mul3A_410, %add3A_412 : vector<16xi32>
      %add3A_414 = arith.addi %add3A_413, %iota3A : vector<16xi32>
      %gather3A_415 = tpu.vector_load_idx %arg10[%shift_right_logical3A_404, %add3A_414] : memref<500x128xf32, #tpu.memory_space<vmem>>[vector<16xi32>, vector<16xi32>], vector<16xf32>,
      %mul3A_416 = arith.mulf %gather3A_401, %gather3A_415 : vector<16xf32>
      %add3A_417 = arith.addf %add3A_372, %mul3A_416 : vector<16xf32>
      %add3A_418 = arith.constant 16 : i32
      %add3A_419 = vector.broadcast %add3A_418 : i32 to vector<16xi32>
      %add3A_420 = arith.addi %mul3A_410, %add3A_419 : vector<16xi32>
      %add3A_421 = arith.addi %add3A_420, %iota3A : vector<16xi32>
      %gather3A_422 = tpu.vector_load_idx %arg10[%shift_right_logical3A_404, %add3A_421] : memref<500x128xf32, #tpu.memory_space<vmem>>[vector<16xi32>, vector<16xi32>], vector<16xf32>,
      %mul3A_423 = arith.mulf %gather3A_401, %gather3A_422 : vector<16xf32>
      %add3A_424 = arith.addf %add3A_379, %mul3A_423 : vector<16xf32>
      %add3A_425 = arith.constant 32 : i32
      %add3A_426 = vector.broadcast %add3A_425 : i32 to vector<16xi32>
      %add3A_427 = arith.addi %mul3A_410, %add3A_426 : vector<16xi32>
      %add3A_428 = arith.addi %add3A_427, %iota3A : vector<16xi32>
      %gather3A_429 = tpu.vector_load_idx %arg10[%shift_right_logical3A_404, %add3A_428] : memref<500x128xf32, #tpu.memory_space<vmem>>[vector<16xi32>, vector<16xi32>], vector<16xf32>,
      %mul3A_430 = arith.mulf %gather3A_401, %gather3A_429 : vector<16xf32>
      %add3A_431 = arith.addf %add3A_386, %mul3A_430 : vector<16xf32>
      %add3A_432 = arith.constant 48 : i32
      %add3A_433 = vector.broadcast %add3A_432 : i32 to vector<16xi32>
      %add3A_434 = arith.addi %mul3A_410, %add3A_433 : vector<16xi32>
      %add3A_435 = arith.addi %add3A_434, %iota3A : vector<16xi32>
      %gather3A_436 = tpu.vector_load_idx %arg10[%shift_right_logical3A_404, %add3A_435] : memref<500x128xf32, #tpu.memory_space<vmem>>[vector<16xi32>, vector<16xi32>], vector<16xf32>,
      %mul3A_437 = arith.mulf %gather3A_401, %gather3A_436 : vector<16xf32>
      %add3A_438 = arith.addf %add3A_393, %mul3A_437 : vector<16xf32>
      %broadcast_in_dim3A_439 = arith.constant 15 : i32
      %broadcast_in_dim3A_440 = vector.broadcast %broadcast_in_dim3A_439 : i32 to vector<16x1xi32>
      %gather3A_441 = vector.shape_cast %broadcast_in_dim3A_440 : vector<16x1xi32> to vector<16xi32>
      %gather3A_442 = tpu.dynamic_gather %get3A_25[%gather3A_441] in [0] : vector<16xi32>, vector<16xi32> -> vector<16xi32>
      %broadcast_in_dim3A_443 = arith.constant 15 : i32
      %broadcast_in_dim3A_444 = vector.broadcast %broadcast_in_dim3A_443 : i32 to vector<16x1xi32>
      %gather3A_445 = vector.shape_cast %broadcast_in_dim3A_444 : vector<16x1xi32> to vector<16xi32>
      %gather3A_446 = tpu.dynamic_gather %get3A_28[%gather3A_445] in [0] : vector<16xf32>, vector<16xi32> -> vector<16xf32>
      %shift_right_logical3A_447 = arith.constant 1 : i32
      %shift_right_logical3A_448 = vector.broadcast %shift_right_logical3A_447 : i32 to vector<16xi32>
      %shift_right_logical3A_449 = arith.shrui %gather3A_442, %shift_right_logical3A_448 : vector<16xi32>
      %and3A_450 = arith.constant 1 : i32
      %and3A_451 = vector.broadcast %and3A_450 : i32 to vector<16xi32>
      %and3A_452 = arith.andi %gather3A_442, %and3A_451 : vector<16xi32>
      %mul3A_453 = arith.constant 64 : i32
      %mul3A_454 = vector.broadcast %mul3A_453 : i32 to vector<16xi32>
      %mul3A_455 = arith.muli %and3A_452, %mul3A_454 : vector<16xi32>
      %add3A_456 = arith.constant 0 : i32
      %add3A_457 = vector.broadcast %add3A_456 : i32 to vector<16xi32>
      %add3A_458 = arith.addi %mul3A_455, %add3A_457 : vector<16xi32>
      %add3A_459 = arith.addi %add3A_458, %iota3A : vector<16xi32>
      %gather3A_460 = tpu.vector_load_idx %arg10[%shift_right_logical3A_449, %add3A_459] : memref<500x128xf32, #tpu.memory_space<vmem>>[vector<16xi32>, vector<16xi32>], vector<16xf32>,
      %mul3A_461 = arith.mulf %gather3A_446, %gather3A_460 : vector<16xf32>
      %add3A_462 = arith.addf %add3A_417, %mul3A_461 : vector<16xf32>
      %add3A_463 = arith.constant 16 : i32
      %add3A_464 = vector.broadcast %add3A_463 : i32 to vector<16xi32>
      %add3A_465 = arith.addi %mul3A_455, %add3A_464 : vector<16xi32>
      %add3A_466 = arith.addi %add3A_465, %iota3A : vector<16xi32>
      %gather3A_467 = tpu.vector_load_idx %arg10[%shift_right_logical3A_449, %add3A_466] : memref<500x128xf32, #tpu.memory_space<vmem>>[vector<16xi32>, vector<16xi32>], vector<16xf32>,
      %mul3A_468 = arith.mulf %gather3A_446, %gather3A_467 : vector<16xf32>
      %add3A_469 = arith.addf %add3A_424, %mul3A_468 : vector<16xf32>
      %add3A_470 = arith.constant 32 : i32
      %add3A_471 = vector.broadcast %add3A_470 : i32 to vector<16xi32>
      %add3A_472 = arith.addi %mul3A_455, %add3A_471 : vector<16xi32>
      %add3A_473 = arith.addi %add3A_472, %iota3A : vector<16xi32>
      %gather3A_474 = tpu.vector_load_idx %arg10[%shift_right_logical3A_449, %add3A_473] : memref<500x128xf32, #tpu.memory_space<vmem>>[vector<16xi32>, vector<16xi32>], vector<16xf32>,
      %mul3A_475 = arith.mulf %gather3A_446, %gather3A_474 : vector<16xf32>
      %add3A_476 = arith.addf %add3A_431, %mul3A_475 : vector<16xf32>
      %add3A_477 = arith.constant 48 : i32
      %add3A_478 = vector.broadcast %add3A_477 : i32 to vector<16xi32>
      %add3A_479 = arith.addi %mul3A_455, %add3A_478 : vector<16xi32>
      %add3A_480 = arith.addi %add3A_479, %iota3A : vector<16xi32>
      %gather3A_481 = tpu.vector_load_idx %arg10[%shift_right_logical3A_449, %add3A_480] : memref<500x128xf32, #tpu.memory_space<vmem>>[vector<16xi32>, vector<16xi32>], vector<16xf32>,
      %mul3A_482 = arith.mulf %gather3A_446, %gather3A_481 : vector<16xf32>
      %add3A_483 = arith.addf %add3A_438, %mul3A_482 : vector<16xf32>
      %swap3A = arith.index_cast %scan3A_20 : i32 to index
      %swap3A_484 = arith.constant 0 : index
      %swap3A_485 = tpu.vector_load %arg12[%swap3A, %swap3A_484] {strides = array<i32>} : memref<32x64xf32, #tpu.memory_space<vmem>>, vector<16xf32>,
      tpu.vector_store %arg12[%swap3A, %swap3A_484], %add3A_462 {strides = array<i32>} : memref<32x64xf32, #tpu.memory_space<vmem>>, vector<16xf32>,
      %swap3A_486 = arith.index_cast %scan3A_20 : i32 to index
      %swap3A_487 = arith.constant 16 : index
      %swap3A_488 = tpu.vector_load %arg12[%swap3A_486, %swap3A_487] {strides = array<i32>} : memref<32x64xf32, #tpu.memory_space<vmem>>, vector<16xf32>,
      tpu.vector_store %arg12[%swap3A_486, %swap3A_487], %add3A_469 {strides = array<i32>} : memref<32x64xf32, #tpu.memory_space<vmem>>, vector<16xf32>,
      %swap3A_489 = arith.index_cast %scan3A_20 : i32 to index
      %swap3A_490 = arith.constant 32 : index
      %swap3A_491 = tpu.vector_load %arg12[%swap3A_489, %swap3A_490] {strides = array<i32>} : memref<32x64xf32, #tpu.memory_space<vmem>>, vector<16xf32>,
      tpu.vector_store %arg12[%swap3A_489, %swap3A_490], %add3A_476 {strides = array<i32>} : memref<32x64xf32, #tpu.memory_space<vmem>>, vector<16xf32>,
      %swap3A_492 = arith.index_cast %scan3A_20 : i32 to index
      %swap3A_493 = arith.constant 48 : index
      %swap3A_494 = tpu.vector_load %arg12[%swap3A_492, %swap3A_493] {strides = array<i32>} : memref<32x64xf32, #tpu.memory_space<vmem>>, vector<16xf32>,
      tpu.vector_store %arg12[%swap3A_492, %swap3A_493], %add3A_483 {strides = array<i32>} : memref<32x64xf32, #tpu.memory_space<vmem>>, vector<16xf32>,
      %scan3A_495 = arith.constant 0 : i32
      scf.yield %scan3A_495 : i32
    }
    %scan3A_19 = arith.constant 32 : i32
    "tpu.trace_stop"() : () -> ()
    "tpu.trace_start"() <{level = 10 : i32, message = "sc_dma_out"}> : () -> ()
    "tpu.region"() ({
      %run_scoped3A = tpu.sem_alloc : memref<!tpu.dma_semaphore, #tpu.memory_space<semaphore_mem>>
      %dma_start3A = arith.constant 0 : i32
      %dma_start3A_20 = tpu.memref_slice %arg5[%multiple_of3A, %dma_start3A] : memref<1024x64xf32, #tpu.memory_space<hbm>> -> memref<32x64xf32, #tpu.memory_space<hbm>>
      %dma_start3A_21 = arith.constant 0 : i32
      %dma_start3A_22 = tpu.memref_slice %arg5[%multiple_of3A, %dma_start3A_21] : memref<1024x64xf32, #tpu.memory_space<hbm>> -> memref<32x64xf32, #tpu.memory_space<hbm>>
      tpu.enqueue_dma source(%arg12 : memref<32x64xf32, #tpu.memory_space<vmem>>) target(%dma_start3A_22 : memref<32x64xf32, #tpu.memory_space<hbm>>) target_semaphore(%run_scoped3A : memref<!tpu.dma_semaphore, #tpu.memory_space<semaphore_mem>>)
      %dma_wait3A = arith.constant 0 : i32
      %dma_wait3A_23 = tpu.memref_slice %arg5[%multiple_of3A, %dma_wait3A] : memref<1024x64xf32, #tpu.memory_space<hbm>> -> memref<32x64xf32, #tpu.memory_space<hbm>>
      %dma_wait3A_24 = arith.constant 0 : i32
      %dma_wait3A_25 = tpu.memref_slice %arg5[%multiple_of3A, %dma_wait3A_24] : memref<1024x64xf32, #tpu.memory_space<hbm>> -> memref<32x64xf32, #tpu.memory_space<hbm>>
      tpu.wait_dma2 semaphore(%run_scoped3A : memref<!tpu.dma_semaphore, #tpu.memory_space<semaphore_mem>>) src(%arg12 : memref<32x64xf32, #tpu.memory_space<vmem>>) dst(%dma_wait3A_25 : memref<32x64xf32, #tpu.memory_space<hbm>>)
      tpu.yield
    }) : () -> ()
    "tpu.trace_stop"() : () -> ()
    return
  }
}

module attributes {stable_mosaic.version = 14 : i64} {
  func.func @_lp_body(%arg0: i32, %arg1: memref<1024x128xf32, #tpu.memory_space<vmem>>, %arg2: memref<1000x128xf32, #tpu.memory_space<vmem>>, %arg3: memref<1000x128xf32, #tpu.memory_space<vmem>>, %arg4: memref<1024x1024xf32, #tpu.memory_space<vmem>>, %arg5: memref<1024x128xi32, #tpu.memory_space<vmem>>, %arg6: memref<1000x128xf32, #tpu.memory_space<vmem>>, %arg7: memref<1000x128xf32, #tpu.memory_space<vmem>>, %arg8: memref<1x1000xf32, #tpu.memory_space<vmem>>) attributes {dimension_semantics = [#tpu.dimension_semantics<arbitrary>], iteration_bounds = array<i64: 1>, scalar_prefetch = 0 : i64, scratch_operands = 3 : i64, tpu.core_type = #tpu.core_type<tc>, window_params = [{transform_indices = @transform_0, window_bounds = array<i64: 1024, 128>}, {pipeline_mode = #tpu.pipeline_mode<synchronous>, transform_indices = @transform_1, window_bounds = array<i64: 1000, 128>}, {pipeline_mode = #tpu.pipeline_mode<synchronous>, transform_indices = @transform_2, window_bounds = array<i64: 1000, 128>}, {transform_indices = @transform_3, window_bounds = array<i64: 1024, 1024>}, {transform_indices = @transform_4, window_bounds = array<i64: 1024, 128>}]} {
    %eq3A = arith.constant 0 : i32
    %eq3A_0 = arith.cmpi eq, %arg0, %eq3A : i32
    %convert_element_type3A = arith.extui %eq3A_0 : i1 to i32
    %cond3A = arith.constant 0 : i32
    %cond3A_1 = arith.cmpi ne, %convert_element_type3A, %cond3A : i32
    scf.if %cond3A_1 {
      %get3A_239 = arith.constant 0 : index
      %get3A_240 = arith.constant 0 : index
      %get3A_241 = vector.load %arg2[%get3A_239, %get3A_240] : memref<1000x128xf32, #tpu.memory_space<vmem>>, vector<1000x128xf32>
      %get3A_242 = arith.constant 0 : index
      %get3A_243 = arith.constant 0 : index
      %get3A_244 = vector.load %arg3[%get3A_242, %get3A_243] : memref<1000x128xf32, #tpu.memory_space<vmem>>, vector<1000x128xf32>
      %mul3A_245 = arith.mulf %get3A_244, %get3A_244 : vector<1000x128xf32>
      %div3A = arith.constant 1.000000e+00 : f32
      %div3A_246 = vector.broadcast %div3A : f32 to vector<1000x128xf32>
      %div3A_247 = arith.divf %div3A_246, %mul3A_245 : vector<1000x128xf32>
      %mul3A_248 = arith.mulf %get3A_241, %div3A_247 : vector<1000x128xf32>
      %mul3A_249 = arith.constant -5.000000e-01 : f32
      %mul3A_250 = vector.broadcast %mul3A_249 : f32 to vector<1000x128xf32>
      %mul3A_251 = arith.mulf %mul3A_250, %div3A_247 : vector<1000x128xf32>
      %swap3A_252 = arith.constant 0 : index
      %swap3A_253 = arith.constant 0 : index
      %swap3A_254 = vector.load %arg6[%swap3A_252, %swap3A_253] : memref<1000x128xf32, #tpu.memory_space<vmem>>, vector<1000x128xf32>
      tpu.vector_store %arg6[%swap3A_252, %swap3A_253], %mul3A_251 {strides = array<i32>} : memref<1000x128xf32, #tpu.memory_space<vmem>>, vector<1000x128xf32>,
      %swap3A_255 = arith.constant 0 : index
      %swap3A_256 = arith.constant 0 : index
      %swap3A_257 = vector.load %arg7[%swap3A_255, %swap3A_256] : memref<1000x128xf32, #tpu.memory_space<vmem>>, vector<1000x128xf32>
      tpu.vector_store %arg7[%swap3A_255, %swap3A_256], %mul3A_248 {strides = array<i32>} : memref<1000x128xf32, #tpu.memory_space<vmem>>, vector<1000x128xf32>,
      %mul3A_258 = arith.constant -5.000000e-01 : f32
      %mul3A_259 = vector.broadcast %mul3A_258 : f32 to vector<1000x128xf32>
      %mul3A_260 = arith.mulf %mul3A_259, %get3A_241 : vector<1000x128xf32>
      %mul3A_261 = arith.mulf %mul3A_260, %mul3A_248 : vector<1000x128xf32>
      %log3A = math.log %get3A_244 : vector<1000x128xf32>
      %sub3A = arith.subf %mul3A_261, %log3A : vector<1000x128xf32>
      %reduce_sum3A = arith.constant dense<0.000000e+00> : vector<1000xf32>
      %reduce_sum3A_262 = vector.multi_reduction <add>, %sub3A, %reduce_sum3A [1] : vector<1000x128xf32> to vector<1000xf32>
      %log3A_263 = arith.constant 6.28318548 : f32
      %log3A_264 = math.log %log3A_263 : f32
      %mul3A_265 = arith.constant 6.400000e+01 : f32
      %mul3A_266 = arith.mulf %mul3A_265, %log3A_264 : f32
      %sub3A_267 = vector.broadcast %mul3A_266 : f32 to vector<1000xf32>
      %sub3A_268 = arith.subf %reduce_sum3A_262, %sub3A_267 : vector<1000xf32>
      %broadcast_in_dim3A_269 = vector.shape_cast %sub3A_268 : vector<1000xf32> to vector<1x1000xf32>
      %swap3A_270 = arith.constant 0 : index
      %swap3A_271 = arith.constant 0 : index
      %swap3A_272 = vector.load %arg8[%swap3A_270, %swap3A_271] : memref<1x1000xf32, #tpu.memory_space<vmem>>, vector<1x1000xf32>
      tpu.vector_store %arg8[%swap3A_270, %swap3A_271], %broadcast_in_dim3A_269 {strides = array<i32>} : memref<1x1000xf32, #tpu.memory_space<vmem>>, vector<1x1000xf32>,
    } else {
    }
    %get3A = arith.constant 0 : index
    %get3A_2 = arith.constant 0 : index
    %get3A_3 = vector.load %arg1[%get3A, %get3A_2] : memref<1024x128xf32, #tpu.memory_space<vmem>>, vector<1024x128xf32>
    %mul3A = arith.mulf %get3A_3, %get3A_3 : vector<1024x128xf32>
    %get3A_4 = arith.constant 0 : index
    %get3A_5 = arith.constant 0 : index
    %get3A_6 = vector.load %arg6[%get3A_4, %get3A_5] : memref<1000x128xf32, #tpu.memory_space<vmem>>, vector<1000x128xf32>
    %dot_general3A = arith.constant dense<0.000000e+00> : vector<1024x1000xf32>
    %dot_general3A_7 = tpu.matmul %mul3A, %get3A_6, %dot_general3A {dimension_numbers = #tpu.dot_dimension_numbers<[1], [1], [0], [0], [0, 0, 1, 0], [], []>, precision = #tpu.contract_precision<fp32>, transpose_lhs_hint = false} : vector<1024x128xf32>, vector<1000x128xf32>, vector<1024x1000xf32> -> vector<1024x1000xf32>
    %get3A_8 = arith.constant 0 : index
    %get3A_9 = arith.constant 0 : index
    %get3A_10 = vector.load %arg7[%get3A_8, %get3A_9] : memref<1000x128xf32, #tpu.memory_space<vmem>>, vector<1000x128xf32>
    %dot_general3A_11 = arith.constant dense<0.000000e+00> : vector<1024x1000xf32>
    %dot_general3A_12 = tpu.matmul %get3A_3, %get3A_10, %dot_general3A_11 {dimension_numbers = #tpu.dot_dimension_numbers<[1], [1], [0], [0], [0, 0, 1, 0], [], []>, precision = #tpu.contract_precision<fp32>, transpose_lhs_hint = false} : vector<1024x128xf32>, vector<1000x128xf32>, vector<1024x1000xf32> -> vector<1024x1000xf32>
    %add3A = arith.addf %dot_general3A_7, %dot_general3A_12 : vector<1024x1000xf32>
    %get3A_13 = arith.constant 0 : index
    %get3A_14 = arith.constant 0 : index
    %get3A_15 = vector.load %arg8[%get3A_13, %get3A_14] : memref<1x1000xf32, #tpu.memory_space<vmem>>, vector<1x1000xf32>
    %add3A_16 = vector.broadcast %get3A_15 : vector<1x1000xf32> to vector<1024x1000xf32>
    %add3A_17 = arith.addf %add3A, %add3A_16 : vector<1024x1000xf32>
    %broadcast_in_dim3A = arith.constant -3.000000e+38 : f32
    %broadcast_in_dim3A_18 = vector.broadcast %broadcast_in_dim3A : f32 to vector<1024x24xf32>
    %concatenate3A = tpu.concatenate %add3A_17, %broadcast_in_dim3A_18 in 1 : vector<1024x1000xf32>, vector<1024x24xf32> -> vector<1024x1024xf32>
    %swap3A = arith.constant 0 : index
    %swap3A_19 = arith.constant 0 : index
    %swap3A_20 = vector.load %arg4[%swap3A, %swap3A_19] : memref<1024x1024xf32, #tpu.memory_space<vmem>>, vector<1024x1024xf32>
    tpu.vector_store %arg4[%swap3A, %swap3A_19], %concatenate3A {strides = array<i32>} : memref<1024x1024xf32, #tpu.memory_space<vmem>>, vector<1024x1024xf32>,
    %reshape3A = vector.shape_cast %concatenate3A : vector<1024x1024xf32> to vector<1024x8x128xf32>
    %reduce_max3A = arith.constant dense<0xFF800000> : vector<1024x128xf32>
    %reduce_max3A_21 = vector.multi_reduction <maximumf>, %reshape3A, %reduce_max3A [1] : vector<1024x8x128xf32> to vector<1024x128xf32>
    %iota3A = tpu.iota {dimensions = array<i32: 1>} : vector<1024x128xi32>
    %broadcast_in_dim3A_22 = arith.constant 0 : i32
    %broadcast_in_dim3A_23 = vector.broadcast %broadcast_in_dim3A_22 : i32 to vector<1024x128xi32>
    %reduce_max3A_24 = arith.constant dense<0xFF800000> : vector<1024xf32>
    %reduce_max3A_25 = vector.multi_reduction <maximumf>, %reduce_max3A_21, %reduce_max3A_24 [1] : vector<1024x128xf32> to vector<1024xf32>
    %broadcast_in_dim3A_26 = vector.shape_cast %reduce_max3A_25 : vector<1024xf32> to vector<1024x1xf32>
    %eq3A_27 = vector.broadcast %broadcast_in_dim3A_26 : vector<1024x1xf32> to vector<1024x128xf32>
    %eq3A_28 = arith.cmpf oeq, %reduce_max3A_21, %eq3A_27 : vector<1024x128xf32>
    %jit3A = arith.constant 128 : i32
    %broadcast_in_dim3A_29 = vector.broadcast %jit3A : i32 to vector<1024x128xi32>
    %select_n3A = arith.select %eq3A_28, %iota3A, %broadcast_in_dim3A_29 : vector<1024x128xi1>, vector<1024x128xi32>
    %reduce_min3A = arith.constant dense<2147483647> : vector<1024xi32>
    %reduce_min3A_30 = vector.multi_reduction <minsi>, %select_n3A, %reduce_min3A [1] : vector<1024x128xi32> to vector<1024xi32>
    %broadcast_in_dim3A_31 = vector.shape_cast %reduce_min3A_30 : vector<1024xi32> to vector<1024x1xi32>
    %eq3A_32 = arith.constant 0 : i32
    %eq3A_33 = vector.broadcast %eq3A_32 : i32 to vector<1024x128xi32>
    %eq3A_34 = arith.cmpi eq, %iota3A, %eq3A_33 : vector<1024x128xi32>
    %broadcast_in_dim3A_35 = vector.shape_cast %broadcast_in_dim3A_31 : vector<1024x1xi32> to vector<1024x1xi32>
    %broadcast_in_dim3A_36 = vector.broadcast %broadcast_in_dim3A_35 : vector<1024x1xi32> to vector<1024x128xi32>
    %select_n3A_37 = arith.select %eq3A_34, %broadcast_in_dim3A_36, %broadcast_in_dim3A_23 : vector<1024x128xi1>, vector<1024x128xi32>
    %eq3A_38 = vector.broadcast %broadcast_in_dim3A_31 : vector<1024x1xi32> to vector<1024x128xi32>
    %eq3A_39 = arith.cmpi eq, %iota3A, %eq3A_38 : vector<1024x128xi32>
    %jit3A_40 = arith.constant -3.000000e+38 : f32
    %broadcast_in_dim3A_41 = vector.broadcast %jit3A_40 : f32 to vector<1024x128xf32>
    %select_n3A_42 = arith.select %eq3A_39, %broadcast_in_dim3A_41, %reduce_max3A_21 : vector<1024x128xi1>, vector<1024x128xf32>
    %reduce_max3A_43 = arith.constant dense<0xFF800000> : vector<1024xf32>
    %reduce_max3A_44 = vector.multi_reduction <maximumf>, %select_n3A_42, %reduce_max3A_43 [1] : vector<1024x128xf32> to vector<1024xf32>
    %broadcast_in_dim3A_45 = vector.shape_cast %reduce_max3A_44 : vector<1024xf32> to vector<1024x1xf32>
    %eq3A_46 = vector.broadcast %broadcast_in_dim3A_45 : vector<1024x1xf32> to vector<1024x128xf32>
    %eq3A_47 = arith.cmpf oeq, %select_n3A_42, %eq3A_46 : vector<1024x128xf32>
    %jit3A_48 = arith.constant 128 : i32
    %broadcast_in_dim3A_49 = vector.broadcast %jit3A_48 : i32 to vector<1024x128xi32>
    %select_n3A_50 = arith.select %eq3A_47, %iota3A, %broadcast_in_dim3A_49 : vector<1024x128xi1>, vector<1024x128xi32>
    %reduce_min3A_51 = arith.constant dense<2147483647> : vector<1024xi32>
    %reduce_min3A_52 = vector.multi_reduction <minsi>, %select_n3A_50, %reduce_min3A_51 [1] : vector<1024x128xi32> to vector<1024xi32>
    %broadcast_in_dim3A_53 = vector.shape_cast %reduce_min3A_52 : vector<1024xi32> to vector<1024x1xi32>
    %eq3A_54 = arith.constant 1 : i32
    %eq3A_55 = vector.broadcast %eq3A_54 : i32 to vector<1024x128xi32>
    %eq3A_56 = arith.cmpi eq, %iota3A, %eq3A_55 : vector<1024x128xi32>
    %broadcast_in_dim3A_57 = vector.shape_cast %broadcast_in_dim3A_53 : vector<1024x1xi32> to vector<1024x1xi32>
    %broadcast_in_dim3A_58 = vector.broadcast %broadcast_in_dim3A_57 : vector<1024x1xi32> to vector<1024x128xi32>
    %select_n3A_59 = arith.select %eq3A_56, %broadcast_in_dim3A_58, %select_n3A_37 : vector<1024x128xi1>, vector<1024x128xi32>
    %eq3A_60 = vector.broadcast %broadcast_in_dim3A_53 : vector<1024x1xi32> to vector<1024x128xi32>
    %eq3A_61 = arith.cmpi eq, %iota3A, %eq3A_60 : vector<1024x128xi32>
    %jit3A_62 = arith.constant -3.000000e+38 : f32
    %broadcast_in_dim3A_63 = vector.broadcast %jit3A_62 : f32 to vector<1024x128xf32>
    %select_n3A_64 = arith.select %eq3A_61, %broadcast_in_dim3A_63, %select_n3A_42 : vector<1024x128xi1>, vector<1024x128xf32>
    %reduce_max3A_65 = arith.constant dense<0xFF800000> : vector<1024xf32>
    %reduce_max3A_66 = vector.multi_reduction <maximumf>, %select_n3A_64, %reduce_max3A_65 [1] : vector<1024x128xf32> to vector<1024xf32>
    %broadcast_in_dim3A_67 = vector.shape_cast %reduce_max3A_66 : vector<1024xf32> to vector<1024x1xf32>
    %eq3A_68 = vector.broadcast %broadcast_in_dim3A_67 : vector<1024x1xf32> to vector<1024x128xf32>
    %eq3A_69 = arith.cmpf oeq, %select_n3A_64, %eq3A_68 : vector<1024x128xf32>
    %jit3A_70 = arith.constant 128 : i32
    %broadcast_in_dim3A_71 = vector.broadcast %jit3A_70 : i32 to vector<1024x128xi32>
    %select_n3A_72 = arith.select %eq3A_69, %iota3A, %broadcast_in_dim3A_71 : vector<1024x128xi1>, vector<1024x128xi32>
    %reduce_min3A_73 = arith.constant dense<2147483647> : vector<1024xi32>
    %reduce_min3A_74 = vector.multi_reduction <minsi>, %select_n3A_72, %reduce_min3A_73 [1] : vector<1024x128xi32> to vector<1024xi32>
    %broadcast_in_dim3A_75 = vector.shape_cast %reduce_min3A_74 : vector<1024xi32> to vector<1024x1xi32>
    %eq3A_76 = arith.constant 2 : i32
    %eq3A_77 = vector.broadcast %eq3A_76 : i32 to vector<1024x128xi32>
    %eq3A_78 = arith.cmpi eq, %iota3A, %eq3A_77 : vector<1024x128xi32>
    %broadcast_in_dim3A_79 = vector.shape_cast %broadcast_in_dim3A_75 : vector<1024x1xi32> to vector<1024x1xi32>
    %broadcast_in_dim3A_80 = vector.broadcast %broadcast_in_dim3A_79 : vector<1024x1xi32> to vector<1024x128xi32>
    %select_n3A_81 = arith.select %eq3A_78, %broadcast_in_dim3A_80, %select_n3A_59 : vector<1024x128xi1>, vector<1024x128xi32>
    %eq3A_82 = vector.broadcast %broadcast_in_dim3A_75 : vector<1024x1xi32> to vector<1024x128xi32>
    %eq3A_83 = arith.cmpi eq, %iota3A, %eq3A_82 : vector<1024x128xi32>
    %jit3A_84 = arith.constant -3.000000e+38 : f32
    %broadcast_in_dim3A_85 = vector.broadcast %jit3A_84 : f32 to vector<1024x128xf32>
    %select_n3A_86 = arith.select %eq3A_83, %broadcast_in_dim3A_85, %select_n3A_64 : vector<1024x128xi1>, vector<1024x128xf32>
    %reduce_max3A_87 = arith.constant dense<0xFF800000> : vector<1024xf32>
    %reduce_max3A_88 = vector.multi_reduction <maximumf>, %select_n3A_86, %reduce_max3A_87 [1] : vector<1024x128xf32> to vector<1024xf32>
    %broadcast_in_dim3A_89 = vector.shape_cast %reduce_max3A_88 : vector<1024xf32> to vector<1024x1xf32>
    %eq3A_90 = vector.broadcast %broadcast_in_dim3A_89 : vector<1024x1xf32> to vector<1024x128xf32>
    %eq3A_91 = arith.cmpf oeq, %select_n3A_86, %eq3A_90 : vector<1024x128xf32>
    %jit3A_92 = arith.constant 128 : i32
    %broadcast_in_dim3A_93 = vector.broadcast %jit3A_92 : i32 to vector<1024x128xi32>
    %select_n3A_94 = arith.select %eq3A_91, %iota3A, %broadcast_in_dim3A_93 : vector<1024x128xi1>, vector<1024x128xi32>
    %reduce_min3A_95 = arith.constant dense<2147483647> : vector<1024xi32>
    %reduce_min3A_96 = vector.multi_reduction <minsi>, %select_n3A_94, %reduce_min3A_95 [1] : vector<1024x128xi32> to vector<1024xi32>
    %broadcast_in_dim3A_97 = vector.shape_cast %reduce_min3A_96 : vector<1024xi32> to vector<1024x1xi32>
    %eq3A_98 = arith.constant 3 : i32
    %eq3A_99 = vector.broadcast %eq3A_98 : i32 to vector<1024x128xi32>
    %eq3A_100 = arith.cmpi eq, %iota3A, %eq3A_99 : vector<1024x128xi32>
    %broadcast_in_dim3A_101 = vector.shape_cast %broadcast_in_dim3A_97 : vector<1024x1xi32> to vector<1024x1xi32>
    %broadcast_in_dim3A_102 = vector.broadcast %broadcast_in_dim3A_101 : vector<1024x1xi32> to vector<1024x128xi32>
    %select_n3A_103 = arith.select %eq3A_100, %broadcast_in_dim3A_102, %select_n3A_81 : vector<1024x128xi1>, vector<1024x128xi32>
    %eq3A_104 = vector.broadcast %broadcast_in_dim3A_97 : vector<1024x1xi32> to vector<1024x128xi32>
    %eq3A_105 = arith.cmpi eq, %iota3A, %eq3A_104 : vector<1024x128xi32>
    %jit3A_106 = arith.constant -3.000000e+38 : f32
    %broadcast_in_dim3A_107 = vector.broadcast %jit3A_106 : f32 to vector<1024x128xf32>
    %select_n3A_108 = arith.select %eq3A_105, %broadcast_in_dim3A_107, %select_n3A_86 : vector<1024x128xi1>, vector<1024x128xf32>
    %reduce_max3A_109 = arith.constant dense<0xFF800000> : vector<1024xf32>
    %reduce_max3A_110 = vector.multi_reduction <maximumf>, %select_n3A_108, %reduce_max3A_109 [1] : vector<1024x128xf32> to vector<1024xf32>
    %broadcast_in_dim3A_111 = vector.shape_cast %reduce_max3A_110 : vector<1024xf32> to vector<1024x1xf32>
    %eq3A_112 = vector.broadcast %broadcast_in_dim3A_111 : vector<1024x1xf32> to vector<1024x128xf32>
    %eq3A_113 = arith.cmpf oeq, %select_n3A_108, %eq3A_112 : vector<1024x128xf32>
    %jit3A_114 = arith.constant 128 : i32
    %broadcast_in_dim3A_115 = vector.broadcast %jit3A_114 : i32 to vector<1024x128xi32>
    %select_n3A_116 = arith.select %eq3A_113, %iota3A, %broadcast_in_dim3A_115 : vector<1024x128xi1>, vector<1024x128xi32>
    %reduce_min3A_117 = arith.constant dense<2147483647> : vector<1024xi32>
    %reduce_min3A_118 = vector.multi_reduction <minsi>, %select_n3A_116, %reduce_min3A_117 [1] : vector<1024x128xi32> to vector<1024xi32>
    %broadcast_in_dim3A_119 = vector.shape_cast %reduce_min3A_118 : vector<1024xi32> to vector<1024x1xi32>
    %eq3A_120 = arith.constant 4 : i32
    %eq3A_121 = vector.broadcast %eq3A_120 : i32 to vector<1024x128xi32>
    %eq3A_122 = arith.cmpi eq, %iota3A, %eq3A_121 : vector<1024x128xi32>
    %broadcast_in_dim3A_123 = vector.shape_cast %broadcast_in_dim3A_119 : vector<1024x1xi32> to vector<1024x1xi32>
    %broadcast_in_dim3A_124 = vector.broadcast %broadcast_in_dim3A_123 : vector<1024x1xi32> to vector<1024x128xi32>
    %select_n3A_125 = arith.select %eq3A_122, %broadcast_in_dim3A_124, %select_n3A_103 : vector<1024x128xi1>, vector<1024x128xi32>
    %eq3A_126 = vector.broadcast %broadcast_in_dim3A_119 : vector<1024x1xi32> to vector<1024x128xi32>
    %eq3A_127 = arith.cmpi eq, %iota3A, %eq3A_126 : vector<1024x128xi32>
    %jit3A_128 = arith.constant -3.000000e+38 : f32
    %broadcast_in_dim3A_129 = vector.broadcast %jit3A_128 : f32 to vector<1024x128xf32>
    %select_n3A_130 = arith.select %eq3A_127, %broadcast_in_dim3A_129, %select_n3A_108 : vector<1024x128xi1>, vector<1024x128xf32>
    %reduce_max3A_131 = arith.constant dense<0xFF800000> : vector<1024xf32>
    %reduce_max3A_132 = vector.multi_reduction <maximumf>, %select_n3A_130, %reduce_max3A_131 [1] : vector<1024x128xf32> to vector<1024xf32>
    %broadcast_in_dim3A_133 = vector.shape_cast %reduce_max3A_132 : vector<1024xf32> to vector<1024x1xf32>
    %eq3A_134 = vector.broadcast %broadcast_in_dim3A_133 : vector<1024x1xf32> to vector<1024x128xf32>
    %eq3A_135 = arith.cmpf oeq, %select_n3A_130, %eq3A_134 : vector<1024x128xf32>
    %jit3A_136 = arith.constant 128 : i32
    %broadcast_in_dim3A_137 = vector.broadcast %jit3A_136 : i32 to vector<1024x128xi32>
    %select_n3A_138 = arith.select %eq3A_135, %iota3A, %broadcast_in_dim3A_137 : vector<1024x128xi1>, vector<1024x128xi32>
    %reduce_min3A_139 = arith.constant dense<2147483647> : vector<1024xi32>
    %reduce_min3A_140 = vector.multi_reduction <minsi>, %select_n3A_138, %reduce_min3A_139 [1] : vector<1024x128xi32> to vector<1024xi32>
    %broadcast_in_dim3A_141 = vector.shape_cast %reduce_min3A_140 : vector<1024xi32> to vector<1024x1xi32>
    %eq3A_142 = arith.constant 5 : i32
    %eq3A_143 = vector.broadcast %eq3A_142 : i32 to vector<1024x128xi32>
    %eq3A_144 = arith.cmpi eq, %iota3A, %eq3A_143 : vector<1024x128xi32>
    %broadcast_in_dim3A_145 = vector.shape_cast %broadcast_in_dim3A_141 : vector<1024x1xi32> to vector<1024x1xi32>
    %broadcast_in_dim3A_146 = vector.broadcast %broadcast_in_dim3A_145 : vector<1024x1xi32> to vector<1024x128xi32>
    %select_n3A_147 = arith.select %eq3A_144, %broadcast_in_dim3A_146, %select_n3A_125 : vector<1024x128xi1>, vector<1024x128xi32>
    %eq3A_148 = vector.broadcast %broadcast_in_dim3A_141 : vector<1024x1xi32> to vector<1024x128xi32>
    %eq3A_149 = arith.cmpi eq, %iota3A, %eq3A_148 : vector<1024x128xi32>
    %jit3A_150 = arith.constant -3.000000e+38 : f32
    %broadcast_in_dim3A_151 = vector.broadcast %jit3A_150 : f32 to vector<1024x128xf32>
    %select_n3A_152 = arith.select %eq3A_149, %broadcast_in_dim3A_151, %select_n3A_130 : vector<1024x128xi1>, vector<1024x128xf32>
    %reduce_max3A_153 = arith.constant dense<0xFF800000> : vector<1024xf32>
    %reduce_max3A_154 = vector.multi_reduction <maximumf>, %select_n3A_152, %reduce_max3A_153 [1] : vector<1024x128xf32> to vector<1024xf32>
    %broadcast_in_dim3A_155 = vector.shape_cast %reduce_max3A_154 : vector<1024xf32> to vector<1024x1xf32>
    %eq3A_156 = vector.broadcast %broadcast_in_dim3A_155 : vector<1024x1xf32> to vector<1024x128xf32>
    %eq3A_157 = arith.cmpf oeq, %select_n3A_152, %eq3A_156 : vector<1024x128xf32>
    %jit3A_158 = arith.constant 128 : i32
    %broadcast_in_dim3A_159 = vector.broadcast %jit3A_158 : i32 to vector<1024x128xi32>
    %select_n3A_160 = arith.select %eq3A_157, %iota3A, %broadcast_in_dim3A_159 : vector<1024x128xi1>, vector<1024x128xi32>
    %reduce_min3A_161 = arith.constant dense<2147483647> : vector<1024xi32>
    %reduce_min3A_162 = vector.multi_reduction <minsi>, %select_n3A_160, %reduce_min3A_161 [1] : vector<1024x128xi32> to vector<1024xi32>
    %broadcast_in_dim3A_163 = vector.shape_cast %reduce_min3A_162 : vector<1024xi32> to vector<1024x1xi32>
    %eq3A_164 = arith.constant 6 : i32
    %eq3A_165 = vector.broadcast %eq3A_164 : i32 to vector<1024x128xi32>
    %eq3A_166 = arith.cmpi eq, %iota3A, %eq3A_165 : vector<1024x128xi32>
    %broadcast_in_dim3A_167 = vector.shape_cast %broadcast_in_dim3A_163 : vector<1024x1xi32> to vector<1024x1xi32>
    %broadcast_in_dim3A_168 = vector.broadcast %broadcast_in_dim3A_167 : vector<1024x1xi32> to vector<1024x128xi32>
    %select_n3A_169 = arith.select %eq3A_166, %broadcast_in_dim3A_168, %select_n3A_147 : vector<1024x128xi1>, vector<1024x128xi32>
    %eq3A_170 = vector.broadcast %broadcast_in_dim3A_163 : vector<1024x1xi32> to vector<1024x128xi32>
    %eq3A_171 = arith.cmpi eq, %iota3A, %eq3A_170 : vector<1024x128xi32>
    %jit3A_172 = arith.constant -3.000000e+38 : f32
    %broadcast_in_dim3A_173 = vector.broadcast %jit3A_172 : f32 to vector<1024x128xf32>
    %select_n3A_174 = arith.select %eq3A_171, %broadcast_in_dim3A_173, %select_n3A_152 : vector<1024x128xi1>, vector<1024x128xf32>
    %reduce_max3A_175 = arith.constant dense<0xFF800000> : vector<1024xf32>
    %reduce_max3A_176 = vector.multi_reduction <maximumf>, %select_n3A_174, %reduce_max3A_175 [1] : vector<1024x128xf32> to vector<1024xf32>
    %broadcast_in_dim3A_177 = vector.shape_cast %reduce_max3A_176 : vector<1024xf32> to vector<1024x1xf32>
    %eq3A_178 = vector.broadcast %broadcast_in_dim3A_177 : vector<1024x1xf32> to vector<1024x128xf32>
    %eq3A_179 = arith.cmpf oeq, %select_n3A_174, %eq3A_178 : vector<1024x128xf32>
    %jit3A_180 = arith.constant 128 : i32
    %broadcast_in_dim3A_181 = vector.broadcast %jit3A_180 : i32 to vector<1024x128xi32>
    %select_n3A_182 = arith.select %eq3A_179, %iota3A, %broadcast_in_dim3A_181 : vector<1024x128xi1>, vector<1024x128xi32>
    %reduce_min3A_183 = arith.constant dense<2147483647> : vector<1024xi32>
    %reduce_min3A_184 = vector.multi_reduction <minsi>, %select_n3A_182, %reduce_min3A_183 [1] : vector<1024x128xi32> to vector<1024xi32>
    %broadcast_in_dim3A_185 = vector.shape_cast %reduce_min3A_184 : vector<1024xi32> to vector<1024x1xi32>
    %eq3A_186 = arith.constant 7 : i32
    %eq3A_187 = vector.broadcast %eq3A_186 : i32 to vector<1024x128xi32>
    %eq3A_188 = arith.cmpi eq, %iota3A, %eq3A_187 : vector<1024x128xi32>
    %broadcast_in_dim3A_189 = vector.shape_cast %broadcast_in_dim3A_185 : vector<1024x1xi32> to vector<1024x1xi32>
    %broadcast_in_dim3A_190 = vector.broadcast %broadcast_in_dim3A_189 : vector<1024x1xi32> to vector<1024x128xi32>
    %select_n3A_191 = arith.select %eq3A_188, %broadcast_in_dim3A_190, %select_n3A_169 : vector<1024x128xi1>, vector<1024x128xi32>
    %eq3A_192 = vector.broadcast %broadcast_in_dim3A_185 : vector<1024x1xi32> to vector<1024x128xi32>
    %eq3A_193 = arith.cmpi eq, %iota3A, %eq3A_192 : vector<1024x128xi32>
    %jit3A_194 = arith.constant -3.000000e+38 : f32
    %broadcast_in_dim3A_195 = vector.broadcast %jit3A_194 : f32 to vector<1024x128xf32>
    %select_n3A_196 = arith.select %eq3A_193, %broadcast_in_dim3A_195, %select_n3A_174 : vector<1024x128xi1>, vector<1024x128xf32>
    %reduce_max3A_197 = arith.constant dense<0xFF800000> : vector<1024xf32>
    %reduce_max3A_198 = vector.multi_reduction <maximumf>, %select_n3A_196, %reduce_max3A_197 [1] : vector<1024x128xf32> to vector<1024xf32>
    %broadcast_in_dim3A_199 = vector.shape_cast %reduce_max3A_198 : vector<1024xf32> to vector<1024x1xf32>
    %eq3A_200 = vector.broadcast %broadcast_in_dim3A_199 : vector<1024x1xf32> to vector<1024x128xf32>
    %eq3A_201 = arith.cmpf oeq, %select_n3A_196, %eq3A_200 : vector<1024x128xf32>
    %jit3A_202 = arith.constant 128 : i32
    %broadcast_in_dim3A_203 = vector.broadcast %jit3A_202 : i32 to vector<1024x128xi32>
    %select_n3A_204 = arith.select %eq3A_201, %iota3A, %broadcast_in_dim3A_203 : vector<1024x128xi1>, vector<1024x128xi32>
    %reduce_min3A_205 = arith.constant dense<2147483647> : vector<1024xi32>
    %reduce_min3A_206 = vector.multi_reduction <minsi>, %select_n3A_204, %reduce_min3A_205 [1] : vector<1024x128xi32> to vector<1024xi32>
    %broadcast_in_dim3A_207 = vector.shape_cast %reduce_min3A_206 : vector<1024xi32> to vector<1024x1xi32>
    %eq3A_208 = arith.constant 8 : i32
    %eq3A_209 = vector.broadcast %eq3A_208 : i32 to vector<1024x128xi32>
    %eq3A_210 = arith.cmpi eq, %iota3A, %eq3A_209 : vector<1024x128xi32>
    %broadcast_in_dim3A_211 = vector.shape_cast %broadcast_in_dim3A_207 : vector<1024x1xi32> to vector<1024x1xi32>
    %broadcast_in_dim3A_212 = vector.broadcast %broadcast_in_dim3A_211 : vector<1024x1xi32> to vector<1024x128xi32>
    %select_n3A_213 = arith.select %eq3A_210, %broadcast_in_dim3A_212, %select_n3A_191 : vector<1024x128xi1>, vector<1024x128xi32>
    %eq3A_214 = vector.broadcast %broadcast_in_dim3A_207 : vector<1024x1xi32> to vector<1024x128xi32>
    %eq3A_215 = arith.cmpi eq, %iota3A, %eq3A_214 : vector<1024x128xi32>
    %jit3A_216 = arith.constant -3.000000e+38 : f32
    %broadcast_in_dim3A_217 = vector.broadcast %jit3A_216 : f32 to vector<1024x128xf32>
    %select_n3A_218 = arith.select %eq3A_215, %broadcast_in_dim3A_217, %select_n3A_196 : vector<1024x128xi1>, vector<1024x128xf32>
    %reduce_max3A_219 = arith.constant dense<0xFF800000> : vector<1024xf32>
    %reduce_max3A_220 = vector.multi_reduction <maximumf>, %select_n3A_218, %reduce_max3A_219 [1] : vector<1024x128xf32> to vector<1024xf32>
    %broadcast_in_dim3A_221 = vector.shape_cast %reduce_max3A_220 : vector<1024xf32> to vector<1024x1xf32>
    %eq3A_222 = vector.broadcast %broadcast_in_dim3A_221 : vector<1024x1xf32> to vector<1024x128xf32>
    %eq3A_223 = arith.cmpf oeq, %select_n3A_218, %eq3A_222 : vector<1024x128xf32>
    %jit3A_224 = arith.constant 128 : i32
    %broadcast_in_dim3A_225 = vector.broadcast %jit3A_224 : i32 to vector<1024x128xi32>
    %select_n3A_226 = arith.select %eq3A_223, %iota3A, %broadcast_in_dim3A_225 : vector<1024x128xi1>, vector<1024x128xi32>
    %reduce_min3A_227 = arith.constant dense<2147483647> : vector<1024xi32>
    %reduce_min3A_228 = vector.multi_reduction <minsi>, %select_n3A_226, %reduce_min3A_227 [1] : vector<1024x128xi32> to vector<1024xi32>
    %broadcast_in_dim3A_229 = vector.shape_cast %reduce_min3A_228 : vector<1024xi32> to vector<1024x1xi32>
    %eq3A_230 = arith.constant 9 : i32
    %eq3A_231 = vector.broadcast %eq3A_230 : i32 to vector<1024x128xi32>
    %eq3A_232 = arith.cmpi eq, %iota3A, %eq3A_231 : vector<1024x128xi32>
    %broadcast_in_dim3A_233 = vector.shape_cast %broadcast_in_dim3A_229 : vector<1024x1xi32> to vector<1024x1xi32>
    %broadcast_in_dim3A_234 = vector.broadcast %broadcast_in_dim3A_233 : vector<1024x1xi32> to vector<1024x128xi32>
    %select_n3A_235 = arith.select %eq3A_232, %broadcast_in_dim3A_234, %select_n3A_213 : vector<1024x128xi1>, vector<1024x128xi32>
    %swap3A_236 = arith.constant 0 : index
    %swap3A_237 = arith.constant 0 : index
    %swap3A_238 = vector.load %arg5[%swap3A_236, %swap3A_237] : memref<1024x128xi32, #tpu.memory_space<vmem>>, vector<1024x128xi32>
    tpu.vector_store %arg5[%swap3A_236, %swap3A_237], %select_n3A_235 {strides = array<i32>} : memref<1024x128xi32, #tpu.memory_space<vmem>>, vector<1024x128xi32>,
    return
  }
  func.func @transform_0(%arg0: i32) -> (i32, i32) {
    %c0_i32 = arith.constant 0 : i32
    %c0_i32_0 = arith.constant 0 : i32
    return %arg0, %c0_i32 : i32, i32
  }
  func.func @transform_1(%arg0: i32) -> (i32, i32) {
    %c0_i32 = arith.constant 0 : i32
    %c0_i32_0 = arith.constant 0 : i32
    %c0_i32_1 = arith.constant 0 : i32
    return %c0_i32, %c0_i32_0 : i32, i32
  }
  func.func @transform_2(%arg0: i32) -> (i32, i32) {
    %c0_i32 = arith.constant 0 : i32
    %c0_i32_0 = arith.constant 0 : i32
    %c0_i32_1 = arith.constant 0 : i32
    return %c0_i32, %c0_i32_0 : i32, i32
  }
  func.func @transform_3(%arg0: i32) -> (i32, i32) {
    %c0_i32 = arith.constant 0 : i32
    %c0_i32_0 = arith.constant 0 : i32
    return %arg0, %c0_i32 : i32, i32
  }
  func.func @transform_4(%arg0: i32) -> (i32, i32) {
    %c0_i32 = arith.constant 0 : i32
    %c0_i32_0 = arith.constant 0 : i32
    return %arg0, %c0_i32 : i32, i32
  }
}

</mosaic_0001>

<sc_bundles>
// kernel: kernel.4.cloned.1.call-start
scs
__scs_entry_jumppad:
0x0: {  	(pc) =	sbr.rel $0x88, $3  }
0x1: {  	(tag) =	ssettag $0x0;
	lr =	simm.s32 $0x1  }
0x2: {  	[smem:$0x3F9D] =	sst lr;
	_ =	strace $0xD0000000  }
0x3: {  	_ = 	snop  }
0x4: {  	_ = 	snop  }
0x5: {  	_ = 	snop  }
0x6: {  	_ = 	snop  }
0x7: {  	_ = 	snop  }
__scs_overlays_trampoline_lowered:
0x8: {  	[smem:$0x3FAC] =	sst s0  }
0x9: {  	[smem:$0x3FAD] =	sst s1  }
0xa: {  	[smem:$0x3FAE] =	sst s2  }
0xb: {  	[smem:$0x3FAF] =	sst s3  }
0xc: {  	[smem:$0x3FB0] =	sst s4  }
0xd: {  	[smem:$0x3FB1] =	sst s5  }
0xe: {  	[smem:$0x3FB2] =	sst s6  }
0xf: {  	[smem:$0x3FB3] =	sst s7  }
0x10: {  	[smem:$0x3FB4] =	sst s8  }
0x11: {  	[smem:$0x3FB5] =	sst s9;
	s0 =	simm.s32 @!p0 $0x0  }
0x12: {  	s1 =	sld [smem:$0x3F9B];
	s0 =	simm.s32 @p0 $0x1  }
0x13: {  	[smem:$0x3FB6] =	sst s0;
	s0 =	simm.s32 @!p1 $0x0  }
0x14: {  	s2 =	sld [smem:$0x3F9A];
	s0 =	simm.s32 @p1 $0x1  }
0x15: {  	[smem:$0x3FB7] =	sst s0;
	s0 =	simm.s32 @!p2 $0x0  }
0x16: {  	s3 =	sld [smem:$0x3FDB];
	s0 =	simm.s32 @p2 $0x1  }
0x17: {  	s4 =	simm.s32 $0x1BF5;
	[smem:$0x3FB9] =	sst s0  }
0x18: {  	s0 =	sld [smem:$0x3F9C];
	_ =	swait.ge [sflag:s4], $0x0  }
0x19: {  	s7 =	sld [smem:$0x3F9D]  }
0x1a: {  	s8 =	sadd.s32 $0xFFFFE003, lr  }
0x1b: {  	s9 =	sadd.s32 $0xFFFFFEF7, lr;
	s5 =	simm.s32 $0xFFFFFFFF;
	p2 =	slt.u32 s8, $0xFFFFF086  }
0x1c: {  	p1 =	slt.u32 s9, $0xF7A;
	s5 =	simm.s32 @!p2 $0x0  }
0x1d: {  	s5 =	simm.s32 @p1 $0x1;
	p0 =	seq.s32 s7, s2  }
0x1e: {  	s7 =	smul.u32 @!p0 $0xF7A, s2;
	p2 =	seq.s32 @!p0 s5, $0x0  }
0x1f: {  	s9 =	smul.u32 $0xF7A, s1;
	s8 =	simm.s32 @!p0 $0x1BF5;
	p2 =	por !p2, p0  }
0x20: {  	[sflag:s8] =	ssyncset.s32 @!p0 $0xFFFFF086;
	s6 =	sadd.s32 @!p0 s3, s7;
	s7 =	simm.s32 @!p0 $0x108  }
0x21: {  	s3 =	sadd.s32 s3, s9;
	s6 =	sadd.s32 @!p0 $0x88, s6;
	s7 =	simm.s32 @p2 $0x1082  }
0x22: {  	[simem:s7], [sflag:s8] =	dma.local @!p0 [hbm:s6], $0xF7A  }
0x23: {  	s9 =	sor.u32 $0xD0000000, s2;
	s6 =	simm.s32 $0x108;
	_ =	swait.ge @!p0 [sflag:s8], $0x0  }
0x24: {  	s3 =	sadd.s32 $0x88, s3;
	s6 =	simm.s32 @!p1 $0x1082;
	[sflag:s4] =	ssyncset.s32 $0xFFFFF086  }
0x25: {  	[simem:s6], [sflag:s4] =	dma.local [hbm:s3], $0xF7A  }
0x26: {  	[smem:$0x3F9D] =	sst s1;
	(tag) =	ssettag s2;
	_ =	strace s9  }
0x27: {  	s1 =	sld [smem:$0x3FAD]  }
0x28: {  	s2 =	sld [smem:$0x3FAE]  }
0x29: {  	s4 =	sld [smem:$0x3FB0]  }
0x2a: {  	p0 =	seq.s32 s5, $0x0;
	s5 =	sld [smem:$0x3FB1]  }
0x2b: {  	s6 =	sld [smem:$0x3FB2]  }
0x2c: {  	s7 =	sld [smem:$0x3FB3]  }
0x2d: {  	s3 =	simm.s32 $0x108;
	s8 =	sld [smem:$0x3FB4]  }
0x2e: {  	s3 =	simm.s32 @!p0 $0x1082;
	s9 =	sld [smem:$0x3FB5]  }
0x2f: {  	lr =	sadd.s32 s0, s3;
	s0 =	sld [smem:$0x3FAC]  }
0x30: {  	s3 =	sld [smem:$0x3FAF]  }
0x31: {  	[smem:$0x3FB8] =	sst s10  }
0x32: {  	s10 =	sld [smem:$0x3FB6];
	_ =	sdelay $0x3  }
0x33: {  	p0 =	seq.s32 s10, $0x1;
	s10 =	sld [smem:$0x3FB8];
	_ =	sdelay $0x3  }
0x34: {  	[smem:$0x3FB8] =	sst s10  }
0x35: {  	s10 =	sld [smem:$0x3FB7];
	_ =	sdelay $0x3  }
0x36: {  	p1 =	seq.s32 s10, $0x1;
	s10 =	sld [smem:$0x3FB8];
	_ =	sdelay $0x3  }
0x37: {  	[smem:$0x3FB8] =	sst s10  }
0x38: {  	s10 =	sld [smem:$0x3FB9]  }
0x39: {  	_ = 	snop;
	(pc) =	sbr.ind lr, $3  }
0x3a: {  	_ = 	snop  }
0x3b: {  	_ = 	snop  }
0x3c: {  	p2 =	seq.s32 s10, $0x1;
	s10 =	sld [smem:$0x3FB8]  }
0x3d: {  	_ =	shalt  }
0x3e: {  	_ =	shalt  }
0x3f: {  	_ =	shalt  }
0x40: {  	_ =	shalt  }
0x41: {  	_ =	shalt  }
0x42: {  	_ =	shalt  }
0x43: {  	_ =	shalt  }
0x44: {  	_ =	shalt  }
0x45: {  	_ =	shalt  }
0x46: {  	_ =	shalt  }
0x47: {  	_ =	shalt  }
0x48: {  	_ =	shalt  }
0x49: {  	_ =	shalt  }
0x4a: {  	_ =	shalt  }
0x4b: {  	_ =	shalt  }
0x4c: {  	_ =	shalt  }
0x4d: {  	_ =	shalt  }
0x4e: {  	_ =	shalt  }
0x4f: {  	_ =	shalt  }
0x50: {  	_ =	shalt  }
0x51: {  	_ =	shalt  }
0x52: {  	_ =	shalt  }
0x53: {  	_ =	shalt  }
0x54: {  	_ =	shalt  }
0x55: {  	_ =	shalt  }
0x56: {  	_ =	shalt  }
0x57: {  	_ =	shalt  }
0x58: {  	_ =	shalt  }
0x59: {  	_ =	shalt  }
0x5a: {  	_ =	shalt  }
0x5b: {  	_ =	shalt  }
0x5c: {  	_ =	shalt  }
0x5d: {  	_ =	shalt  }
0x5e: {  	_ =	shalt  }
0x5f: {  	_ =	shalt  }
0x60: {  	_ =	shalt  }
0x61: {  	_ =	shalt  }
0x62: {  	_ =	shalt  }
0x63: {  	_ =	shalt  }
0x64: {  	_ =	shalt  }
0x65: {  	_ =	shalt  }
0x66: {  	_ =	shalt  }
0x67: {  	_ =	shalt  }
0x68: {  	_ =	shalt  }
0x69: {  	_ =	shalt  }
0x6a: {  	_ =	shalt  }
0x6b: {  	_ =	shalt  }
0x6c: {  	_ =	shalt  }
0x6d: {  	_ =	shalt  }
0x6e: {  	_ =	shalt  }
0x6f: {  	_ =	shalt  }
0x70: {  	_ =	shalt  }
0x71: {  	_ =	shalt  }
0x72: {  	_ =	shalt  }
0x73: {  	_ =	shalt  }
0x74: {  	_ =	shalt  }
0x75: {  	_ =	shalt  }
0x76: {  	_ =	shalt  }
0x77: {  	_ =	shalt  }
0x78: {  	_ =	shalt  }
0x79: {  	_ =	shalt  }
0x7a: {  	_ =	shalt  }
0x7b: {  	_ =	shalt  }
0x7c: {  	_ =	shalt  }
0x7d: {  	_ =	shalt  }
0x7e: {  	_ =	shalt  }
0x7f: {  	_ =	shalt  }
0x80: {  	_ =	shalt  }
0x81: {  	_ =	shalt  }
0x82: {  	_ =	shalt  }
0x83: {  	_ =	shalt  }
0x84: {  	_ =	shalt  }
0x85: {  	_ =	shalt  }
0x86: {  	_ =	shalt  }
0x87: {  	_ =	shalt  }
.Lfunc_end0:
.L_simem_size_0:
called_computation_lowered:
.L_overlay_start_0:
0x88: {  	s2 =	sld [smem:$0x3FD9]  }
0x89: {  	s3 =	sld [smem:$0x3FFE];
	_ =	sdelay $0x1  }
0x8a: {  	s1 =	srdreg.scid  }
0x8b: {  	s0 =	sand.u32 $0x1, s1  }
0x8c: {  	s17 =	sshll.u32 s0, $0xA;
	s2 =	sadd.s32 s3, s2  }
0x8d: {  	s2 =	sadd.s32 s2, s17  }
0x8e: {  	[smem:$0x3FC4] =	sst s2  }
0x8f: {  	_ = 	snop  }
0x90: {  	s2 =	sld [smem:$0x3FD0];
	(tm) =	ssettm $0x1  }
0x91: {  	s18 =	sld [smem:$0x3FFB];
	_ =	sdelay $0x3  }
0x92: {  	_ =	strace s18  }
0x93: {  	s3 =	sld [smem:$0x3FFC];
	_ =	sdelay $0x3  }
0x94: {  	_ =	strace s3  }
0x95: {  	s3 =	sld [smem:$0x3FFD];
	_ =	sdelay $0x3  }
0x96: {  	_ =	strace s3  }
0x97: {  	_ =	strace $0x8FFFFFFF  }
0x98: {  	s19 =	sld [smem:$0x3FDB];
	_ =	sdelay $0x1  }
0x99: {  	s4 =	simm.s32 $_scs_section_size  }
0x9a: {  	s5 =	simm.s32 $_size__tile_overlayer_lowered;
	s6 =	simm.s32 $_tile_overlayer_lowered  }
0x9b: {  	s22 =	simm.s32 $0x1BFF;
	s21 =	sshll.u32 s6, $0x1;
	s3 =	sadd.s32 s4, s19  }
0x9c: {  	s7 =	simm.s32 $0x0;
	s20 =	sshll.u32 s5, $0x1;
	s5 =	sadd.s32 s21, s3  }
0x9d: {  	[timem:s7], [sflag:s22] =	dma.local [hbm:s5], s20  }
0x9e: {  	_ =	swait.ge [sflag:s22], s20  }
0x9f: {  	s4 =	ssub.s32 $0x0, s20;
	[sflag:s22] =	ssyncset.done $0x0  }
0xa0: {  	[sflag:s22] =	ssyncadd.s32 s4;
	_ =	sdelay $0x1  }
0xa1: {  	s23 =	simm.s32 $0x1B8B  }
0xa2: {  	_ =	swait.ge [sflag:s23], $0x1  }
0xa3: {  	[sflag:s23] =	ssyncset.done $0x0  }
0xa4: {  	s25 =	simm.s32 $0x1B8E;
	s24 =	sld [smem:$0x3FFE];
	[sflag:s23] =	ssyncadd.s32 $0xFFFFFFFF  }
0xa5: {  	s26 =	simm.s32 $execute0_lowered;
	[smem:$0x3FD2] =	sst s25  }
0xa6: {  	s5 =	sshll.u32 s26, $0x1;
	_ =	strace $0x80000046;
	[dreg:$0x1] =	wrdreg $0xFFFFFFFF  }
0xa7: {  	s28 =	simm.s32 $_size_execute0_lowered;
	s3 =	sadd.s32 s3, s5;
	[dreg:$0x0] =	wrdreg $0x0  }
0xa8: {  	s5 =	sshll.u32 s28, $0x1;
	[dreg:$0x2] =	wrdreg s3  }
0xa9: {  	[dreg:$0x3] =	wrdreg s5  }
0xaa: {  	[dreg:$0x4] =	wrdreg $0xC0  }
0xab: {  	_ =	task [dreg:s7], $0x5FFFF  }
0xac: {  	[dreg:$0x1] =	wrdreg $0xFFFFFFFF  }
0xad: {  	[dreg:$0x0] =	wrdreg $0x60  }
0xae: {  	[dreg:$0x2] =	wrdreg s24  }
0xaf: {  	[dreg:$0x3] =	wrdreg s2  }
0xb0: {  	[dreg:$0x4] =	wrdreg $0x19E000  }
0xb1: {  	[dreg:$0x5] =	wrdreg $0x9  }
0xb2: {  	_ =	task.clear_ibuf [dreg:s7], $0x6FFFF;
	_ =	strace $0x90000046  }
0xb3: {  	s29 =	simm.s32 $0x9;
	_ =	strace $0x8000004E  }
0xb4: {  	_ =	swait.ge [sflag:s29], $0x1  }
0xb5: {  	[sflag:s29] =	ssyncadd.s32 $0xFFFFFFFF  }
0xb6: {  	_ =	strace $0x9000004E  }
0xb7: {  	_ =	sfence  }
0xb8: {  	s30 =	sld [smem:$0x0];
	_ =	sdelay $0x2  }
0xb9: {  	s31 =	sshll.u32 s1, $0xD;
	s1 =	sshrl.u32 s1, $0x2  }
0xba: {  	s3 =	sand.u32 $0x4000, s31;
	s1 =	sadd.s32 s1, s30  }
0xbb: {  	s0 =	sor.u32 s3, s0;
	s1 =	sshll.u32 s1, $0x11  }
0xbc: {  	s0 =	sor.u32 s1, s0  }
0xbd: {  	s0 =	sadd.s32 $0x8F2B, s0  }
0xbe: {  	[sflag:s0] =	ssyncadd.remote.s32 $0x1  }
0xbf: {  	_ =	sfence.sel $0xFFFF  }
0xc0: {  	[dreg:$0x0] =	wrdreg $0xFFFFFFFF;
	(pc) =	sbr.abs _section_cstart, $3  }
0xc1: {  	[dreg:$0x1] =	wrdreg $0xFFFFFFFF  }
0xc2: {  	_ =	task.clear_ibuf [dreg:s7], $0x2FFFF;
	_ =	strace $0x9FFFFFFF  }
0xc3: {  	(tm) =	ssettm $0x7FFFFFFF  }
tec
execute0_lowered:
.L_overlay_start_1:
0x0: {  	(tag) =	ssettag $0x1  }
0x1: {  	s4 =	rddreg [dreg:$0x0]  }
0x2: {  	s1 =	rddreg [dreg:$0x1]  }
0x3: {  	s2 =	rddreg [dreg:$0x2]  }
0x4: {  	s0 =	rddreg [dreg:$0x3];
	s5 =	srdreg.scid  }
0x5: {  	s3 =	simm.s32 $0x0;
	s6 =	stileid.u32;
	s10 =	simm.s32 $0x8000  }
0x6: {  	s11 =	simm.s32 $0xA200;
	s12 =	simm.s32 $0x1;
	s13 =	simm.s32 $0x1ADA0  }
0x7: {  	v0 =	vlaneseq.u32;
	v1 =	vimm.s32 $0x0;
	v2 =	vimm.s32 $0x1;
	s14 =	simm.s32 $0x0;
	s5 =	sand.u32 $0x1, s5;
	[smem:$0x7FF] =	sst s3  }
0x8: {  	vm0 =	vmmov $0xff;
	v4 =	vimm.s32 $0x3;
	v5 =	vimm.s32 $0x7;
	s7 =	sshll.u32 s6, $0x6;
	p0 =	sne.s32 s6, $0x0;
	s8 =	sshll.u32 s5, $0x5  }
0x9: {  	v6 =	vimm.s32 $0x2;
	v7 =	vimm.s32 $0x4;
	v8 =	vimm.s32 $0x5;
	_ =	strace $0x80000047;
	s5 =	ssub.s32 $0x2, s5;
	s7 =	sor.u32 s8, s7  }
0xa: {  	v9 =	vimm.s32 $0x6;
	v10 =	vimm.s32 $0x8;
	v11 =	vimm.s32 $0x9;
	s9 =	sshrl.u32 s5, $0x1;
	s8 =	sshll.u32 s7, $0x7;
	s7 =	sshll.u32 s7, $0x4  }
0xb: {  	vm1 =	vmmov $0x3f;
	v12 =	vimm.s32 $0xA;
	v13 =	vimm.s32 $0xB;
	s9 =	ssub.s32 s5, s9;
	s8 =	sadd.s32 s8, s4;
	s7 =	sadd.s32 s7, s4  }
0xc: {  	v14 =	vimm.s32 $0xC;
	v15 =	vimm.s32 $0xD;
	v3 =	vand.u32 $0x7, v0;
	s4 =	sadd.s32 $0x1000, s8;
	s5 =	sadd.s32 $0x21000, s7;
	s6 =	sadd.s32 $0x25000, s7  }
0xd: {  	v16 =	vimm.s32 $0xE;
	v17 =	vimm.s32 $0xF;
	v3 =	vmul.u32 $0x80, v3;
	s7 =	smax.u32 s9, $0x1;
	s8 =	sshrl.u32 @!p0 s2, $0x3;
	s9 =	simm.s32 $0x2  }
.LBB2_1:
0xe: {  	_ =	strace $0x80000048;
	s15 =	simm.s32 @!p0 $0x1C02  }
0xf: {  	[spmem:s8], [sflag:s15] =	dma.local @!p0 [hbm:s1], $0x1F40  }
0x10: {  	s15 =	simm.s32 @!p0 $0x2  }
0x11: {  	_ =	swait.ge @!p0 [sflag:s15], $0x1F40  }
0x12: {  	[sflag:s15] =	ssyncset.done @!p0 $0x0  }
0x13: {  	[sflag:s15] =	ssyncadd.s32 @!p0 $0xFFFFE0C0  }
0x14: {  	[bflag:$0x0] =	sbarrier.arrive $0xFFFF  }
0x15: {  	_ =	strace $0x90000048  }
0x16: {  	_ =	strace $0x80000049  }
0x17: {  	[tilespmem:s3], [sflag:$0x2] =	stream.linear.gather [hbm4b:s4+s3], $0x8000, $0x200038;
	[tilespmem:$0x1BDA0] =	vst v63  }
0x18: {  	_ =	swait.ge [sflag:s9], $0x8000  }
0x19: {  	[sflag:s9] =	ssyncset.done $0x0  }
0x1a: {  	[sflag:s9] =	ssyncadd.s32 $0xFFFF8000  }
0x1b: {  	[tilespmem:s10], [sflag:$0x2] =	stream.linear.gather [hbm4b:s5+s3], $0x1000, $0x200038;
	[tilespmem:$0x1BDA0] =	vst v63  }
0x1c: {  	_ =	swait.ge [sflag:s9], $0x1000  }
0x1d: {  	[sflag:s9] =	ssyncset.done $0x0  }
0x1e: {  	[sflag:s9] =	ssyncadd.s32 $0xFFFFF000  }
0x1f: {  	s16 =	simm.s32 $0x8100;
	s17 =	simm.s32 $0x9300;
	_ =	strace $0x90000049  }
0x20: {  	[tilespmem:s11], [sflag:$0x1] =	stream.linear.gather [spmem:s2], $0xFA00, $0x38;
	[tilespmem:$0x1BDA0] =	vst v63  }
0x21: {  	s18 =	simm.s32 $0x0;
	s15 =	simm.s32 $0x9020;
	_ =	strace $0x8000004A  }
.LBB2_2:
0x22: {  	v18 =	vld [tilespmem:s16+$0xFFFFFF00];
	_ =	sdelay $0x4  }
0x23: {  	v19 =	vperm.xlane v18, v1;
	v20 =	vperm.xlane v18, v2  }
0x24: {  	v22 =	vmov s18;
	v37 =	vperm.xlane v18, v6;
	v21 =	vperm.xlane v18, v4  }
0x25: {  	v24 =	vshll.u32 v22, $0xA;
	v19 =	vsel vm0, v19, v20  }
0x26: {  	v22 =	vshll.u32 v22, $0x7;
	v20 =	vsel vm0, v37, v21;
	v23 =	vadd.s32 v3, v19  }
0x27: {  	v38 =	vand.u32 $0x6000, v24;
	v25 =	vadd.s32 v3, v20;
	v39 =	vshll.u32 v23, $0x3  }
0x28: {  	v22 =	vand.u32 $0x200, v22;
	v26 =	vshll.u32 v25, $0x3;
	v24 =	vand.u32 $0xFFFFFC00, v39  }
0x29: {  	v19 =	vand.u32 $0x7F, v19;
	v26 =	vand.u32 $0xFFFFFC00, v26;
	v24 =	vadd.s32 v38, v24  }
0x2a: {  	v20 =	vand.u32 $0x7F, v20;
	v40 =	vadd.s32 v38, v26;
	v19 =	vor.u32 v19, v24  }
0x2b: {  	v20 =	vor.u32 v20, v40;
	v19 =	vor.u32 v22, v19  }
0x2c: {  	v20 =	vor.u32 v22, v20;
	_ =	sdelay $0x3  }
0x2d: {  	v19 =	vld.idx.msk [tilespmem:v19+s3+$0x0], $0xffff  }
0x2e: {  	v20 =	vld.idx.msk [tilespmem:v20+s3+$0x0], $0xffff;
	_ =	sdelay $0x3  }
0x2f: {  	(xrf1) =	vsort.ascd.msk.f32 $0xffff, v19, v23  }
0x30: {  	v41 =	vperm.xlane v18, v8;
	v19 =	vperm.xlane v18, v7;
	(xrf1) =	vsort.dscd.msk.f32 $0xffff, v20, v25;
	_ =	sdelay $0x1  }
0x31: {  	v19 =	vsel vm0, v19, v41  }
0x32: {  	v20 =	vadd.s32 v3, v19  }
0x33: {  	v42 =	vshll.u32 v20, $0x3  }
0x34: {  	v23 =	vand.u32 $0xFFFFFC00, v42  }
0x35: {  	v19 =	vand.u32 $0x7F, v19;
	v23 =	vadd.s32 v38, v23  }
0x36: {  	v19 =	vor.u32 v19, v23  }
0x37: {  	v19 =	vor.u32 v22, v19;
	_ =	sdelay $0x4  }
0x38: {  	v19 =	vld.idx.msk [tilespmem:v19+s3+$0x0], $0xffff;
	v44, v43, _ =	vpop (xrf1)  }
0x39: {  	v25, v45, _ =	vpop (xrf1)  }
0x3a: {  	vm2 =	vge.f32 v44, v25  }
0x3b: {  	v23 =	vsel vm2, v44, v25;
	v24 =	vsel vm2, v43, v45  }
0x3c: {  	(xrf1) =	vsort.ascd.msk.f32 $0xffff, v23, v24  }
0x3d: {  	v46 =	vperm.xlane v18, v5;
	(xrf1) =	vsort.dscd.msk.f32 $0xffff, v19, v20;
	v19 =	vperm.xlane v18, v9;
	_ =	sdelay $0x1  }
0x3e: {  	v19 =	vsel vm0, v19, v46  }
0x3f: {  	v20 =	vadd.s32 v3, v19  }
0x40: {  	v47 =	vshll.u32 v20, $0x3  }
0x41: {  	v23 =	vand.u32 $0xFFFFFC00, v47  }
0x42: {  	v19 =	vand.u32 $0x7F, v19;
	v23 =	vadd.s32 v38, v23  }
0x43: {  	v19 =	vor.u32 v19, v23  }
0x44: {  	v19 =	vor.u32 v22, v19;
	_ =	sdelay $0x4  }
0x45: {  	v48, v24, _ =	vpop (xrf1);
	v19 =	vld.idx.msk [tilespmem:v19+s3+$0x0], $0xffff  }
0x46: {  	v49, v50, _ =	vpop (xrf1)  }
0x47: {  	vm2 =	vge.f32 v48, v49  }
0x48: {  	v23 =	vsel vm2, v48, v49;
	v24 =	vsel vm2, v24, v50  }
0x49: {  	(xrf1) =	vsort.ascd.msk.f32 $0xffff, v23, v24  }
0x4a: {  	(xrf1) =	vsort.dscd.msk.f32 $0xffff, v19, v20;
	v19 =	vperm.xlane v18, v10;
	v18 =	vperm.xlane v18, v11;
	_ =	sdelay $0x1  }
0x4b: {  	v18 =	vsel vm0, v19, v18  }
0x4c: {  	v19 =	vadd.s32 v3, v18  }
0x4d: {  	v51 =	vshll.u32 v19, $0x3  }
0x4e: {  	v20 =	vand.u32 $0xFFFFFC00, v51  }
0x4f: {  	v18 =	vand.u32 $0x7F, v18;
	v20 =	vadd.s32 v38, v20  }
0x50: {  	v18 =	vor.u32 v18, v20  }
0x51: {  	v18 =	vor.u32 v22, v18;
	_ =	sdelay $0x4  }
0x52: {  	v52, v21, _ =	vpop (xrf1);
	v18 =	vld.idx.msk [tilespmem:v18+s3+$0x0], $0xffff  }
0x53: {  	v54, v53, _ =	vpop (xrf1)  }
0x54: {  	vm2 =	vge.f32 v52, v54  }
0x55: {  	v20 =	vsel vm2, v52, v54;
	v21 =	vsel vm2, v21, v53  }
0x56: {  	(xrf1) =	vsort.ascd.msk.f32 $0xffff, v20, v21  }
0x57: {  	(xrf1) =	vsort.dscd.msk.f32 $0xffff, v18, v19;
	_ =	sdelay $0xc  }
0x58: {  	v18, v19, _ =	vpop (xrf1)  }
0x59: {  	v20, v21, _ =	vpop (xrf1)  }
0x5a: {  	vm2 =	vge.f32 v18, v20  }
0x5b: {  	v18 =	vsel vm2, v18, v20;
	v19 =	vsel vm2, v19, v21  }
0x5c: {  	(xrf1) =	vsort.ascd.msk.f32 $0xffff, v18, v19;
	_ =	sdelay $0xd  }
0x5d: {  	v18, v19, _ =	vpop (xrf1)  }
0x5e: {  	(xrf0) =	vmax.scan.msk.f32 $0xffff, v18;
	_ =	sdelay $0x5  }
0x5f: {  	v55, _, _ =	vpop (xrf0)  }
0x60: {  	v20 =	vbroadcast v55, $0xF;
	_ =	sdelay $0x1  }
0x61: {  	v18 =	vsub.f32 v18, v20;
	_ =	sdelay $0x1  }
0x62: {  	v18 =	vmul.f32 $1.442695020e+00, v18;
	_ =	sdelay $0x1  }
0x63: {  	(erf) = vpow2.f32 v18;
	_ =	sdelay $0x8  }
0x64: {  	v18 =	vpop (erf)  }
0x65: {  	v18 =	vsel vm1, $0x0, v18  }
0x66: {  	(xrf2) =	vadd.scan.msk.f32 $0xffff, v18;
	_ =	sdelay $0x9  }
0x67: {  	v56, _, _ =	vpop (xrf2)  }
0x68: {  	v20 =	vbroadcast v56, $0xF;
	_ =	sdelay $0x1  }
0x69: {  	(erf) = vrcp.f32 v20;
	_ =	sdelay $0x8  }
0x6a: {  	v20 =	vpop (erf)  }
0x6b: {  	v18 =	vmul.f32 v20, v18  }
0x6c: {  	vm2 =	vlt.s32 v19, $0x3E7  }
0x6d: {  	[tilespmem:s17+$0xFFFFFF00] =	vst v18;
	v18 =	vnsel vm2, $0x3E7, v19  }
0x6e: {  	[tilespmem:s15+$0xFFFFFFE0] =	vst v18  }
0x6f: {  	v18 =	vld [tilespmem:s16+$0xFFFFFF80];
	_ =	sdelay $0x4  }
0x70: {  	s19 =	sadd.s32 $0x1, s18;
	v19 =	vperm.xlane v18, v1;
	v57 =	vperm.xlane v18, v2  }
0x71: {  	v60 =	vmov s19;
	v58 =	vperm.xlane v18, v6;
	v59 =	vperm.xlane v18, v4  }
0x72: {  	v62 =	vshll.u32 v60, $0xA;
	v19 =	vsel vm0, v19, v57  }
0x73: {  	v63 =	vand.u32 $0x6000, v62;
	v20 =	vsel vm0, v58, v59;
	v61 =	vadd.s32 v3, v19  }
0x74: {  	v22 =	vshll.u32 v60, $0x7;
	v29 =	vadd.s32 v3, v20;
	v28 =	vshll.u32 v61, $0x3  }
0x75: {  	v22 =	vand.u32 $0x280, v22;
	v30 =	vshll.u32 v29, $0x3;
	v24 =	vand.u32 $0xFFFFFC00, v28  }
0x76: {  	v19 =	vand.u32 $0x7F, v19;
	v26 =	vand.u32 $0xFFFFFC00, v30;
	v24 =	vadd.s32 v63, v24  }
0x77: {  	v20 =	vand.u32 $0x7F, v20;
	v31 =	vadd.s32 v63, v26;
	v19 =	vor.u32 v19, v24  }
0x78: {  	v20 =	vor.u32 v20, v31;
	v19 =	vor.u32 v22, v19  }
0x79: {  	v20 =	vor.u32 v22, v20;
	_ =	sdelay $0x3  }
0x7a: {  	v19 =	vld.idx.msk [tilespmem:v19+s3+$0x0], $0xffff  }
0x7b: {  	v20 =	vld.idx.msk [tilespmem:v20+s3+$0x0], $0xffff;
	_ =	sdelay $0x3  }
0x7c: {  	(xrf1) =	vsort.ascd.msk.f32 $0xffff, v19, v61  }
0x7d: {  	v32 =	vperm.xlane v18, v8;
	v19 =	vperm.xlane v18, v7;
	(xrf1) =	vsort.dscd.msk.f32 $0xffff, v20, v29;
	_ =	sdelay $0x1  }
0x7e: {  	v19 =	vsel vm0, v19, v32  }
0x7f: {  	v20 =	vadd.s32 v3, v19  }
0x80: {  	v33 =	vshll.u32 v20, $0x3  }
0x81: {  	v23 =	vand.u32 $0xFFFFFC00, v33  }
0x82: {  	v19 =	vand.u32 $0x7F, v19;
	v23 =	vadd.s32 v63, v23  }
0x83: {  	v19 =	vor.u32 v19, v23  }
0x84: {  	v19 =	vor.u32 v22, v19;
	_ =	sdelay $0x4  }
0x85: {  	v19 =	vld.idx.msk [tilespmem:v19+s3+$0x0], $0xffff;
	v35, v34, _ =	vpop (xrf1)  }
0x86: {  	v25, v36, _ =	vpop (xrf1)  }
0x87: {  	vm2 =	vge.f32 v35, v25  }
0x88: {  	v23 =	vsel vm2, v35, v25;
	v24 =	vsel vm2, v34, v36  }
0x89: {  	(xrf1) =	vsort.ascd.msk.f32 $0xffff, v23, v24  }
0x8a: {  	v37 =	vperm.xlane v18, v5;
	(xrf1) =	vsort.dscd.msk.f32 $0xffff, v19, v20;
	v19 =	vperm.xlane v18, v9;
	_ =	sdelay $0x1  }
0x8b: {  	v19 =	vsel vm0, v19, v37  }
0x8c: {  	v20 =	vadd.s32 v3, v19  }
0x8d: {  	v38 =	vshll.u32 v20, $0x3  }
0x8e: {  	v23 =	vand.u32 $0xFFFFFC00, v38  }
0x8f: {  	v19 =	vand.u32 $0x7F, v19;
	v23 =	vadd.s32 v63, v23  }
0x90: {  	v19 =	vor.u32 v19, v23  }
0x91: {  	v19 =	vor.u32 v22, v19;
	_ =	sdelay $0x4  }
0x92: {  	v39, v24, _ =	vpop (xrf1);
	v19 =	vld.idx.msk [tilespmem:v19+s3+$0x0], $0xffff  }
0x93: {  	v40, v41, _ =	vpop (xrf1)  }
0x94: {  	vm2 =	vge.f32 v39, v40  }
0x95: {  	v23 =	vsel vm2, v39, v40;
	v24 =	vsel vm2, v24, v41  }
0x96: {  	(xrf1) =	vsort.ascd.msk.f32 $0xffff, v23, v24  }
0x97: {  	(xrf1) =	vsort.dscd.msk.f32 $0xffff, v19, v20;
	v19 =	vperm.xlane v18, v10;
	v18 =	vperm.xlane v18, v11;
	_ =	sdelay $0x1  }
0x98: {  	v18 =	vsel vm0, v19, v18  }
0x99: {  	v19 =	vadd.s32 v3, v18  }
0x9a: {  	v42 =	vshll.u32 v19, $0x3  }
0x9b: {  	v20 =	vand.u32 $0xFFFFFC00, v42  }
0x9c: {  	v18 =	vand.u32 $0x7F, v18;
	v20 =	vadd.s32 v63, v20  }
0x9d: {  	v18 =	vor.u32 v18, v20  }
0x9e: {  	v18 =	vor.u32 v22, v18;
	_ =	sdelay $0x4  }
0x9f: {  	v43, v21, _ =	vpop (xrf1);
	v18 =	vld.idx.msk [tilespmem:v18+s3+$0x0], $0xffff  }
0xa0: {  	v45, v44, _ =	vpop (xrf1)  }
0xa1: {  	vm2 =	vge.f32 v43, v45  }
0xa2: {  	v20 =	vsel vm2, v43, v45;
	v21 =	vsel vm2, v21, v44  }
0xa3: {  	(xrf1) =	vsort.ascd.msk.f32 $0xffff, v20, v21  }
0xa4: {  	(xrf1) =	vsort.dscd.msk.f32 $0xffff, v18, v19;
	_ =	sdelay $0xc  }
0xa5: {  	v18, v19, _ =	vpop (xrf1)  }
0xa6: {  	v20, v21, _ =	vpop (xrf1)  }
0xa7: {  	vm2 =	vge.f32 v18, v20  }
0xa8: {  	v18 =	vsel vm2, v18, v20;
	v19 =	vsel vm2, v19, v21  }
0xa9: {  	(xrf1) =	vsort.ascd.msk.f32 $0xffff, v18, v19;
	_ =	sdelay $0xd  }
0xaa: {  	v18, v19, _ =	vpop (xrf1)  }
0xab: {  	(xrf0) =	vmax.scan.msk.f32 $0xffff, v18;
	_ =	sdelay $0x5  }
0xac: {  	v46, _, _ =	vpop (xrf0)  }
0xad: {  	v20 =	vbroadcast v46, $0xF;
	_ =	sdelay $0x1  }
0xae: {  	v18 =	vsub.f32 v18, v20;
	_ =	sdelay $0x1  }
0xaf: {  	v18 =	vmul.f32 $1.442695020e+00, v18;
	_ =	sdelay $0x1  }
0xb0: {  	(erf) = vpow2.f32 v18;
	_ =	sdelay $0x8  }
0xb1: {  	v18 =	vpop (erf)  }
0xb2: {  	v18 =	vsel vm1, $0x0, v18  }
0xb3: {  	(xrf2) =	vadd.scan.msk.f32 $0xffff, v18;
	_ =	sdelay $0x9  }
0xb4: {  	v47, _, _ =	vpop (xrf2)  }
0xb5: {  	v20 =	vbroadcast v47, $0xF;
	_ =	sdelay $0x1  }
0xb6: {  	(erf) = vrcp.f32 v20;
	_ =	sdelay $0x8  }
0xb7: {  	v20 =	vpop (erf)  }
0xb8: {  	v18 =	vmul.f32 v20, v18  }
0xb9: {  	vm2 =	vlt.s32 v19, $0x3E7  }
0xba: {  	[tilespmem:s17+$0xFFFFFF80] =	vst v18;
	v18 =	vnsel vm2, $0x3E7, v19  }
0xbb: {  	[tilespmem:s15+$0xFFFFFFF0] =	vst v18  }
0xbc: {  	v18 =	vld [tilespmem:s16+$0x0];
	_ =	sdelay $0x4  }
0xbd: {  	s30 =	sadd.s32 $0x2, s18;
	v19 =	vperm.xlane v18, v1;
	v48 =	vperm.xlane v18, v2  }
0xbe: {  	v51 =	vmov s30;
	v49 =	vperm.xlane v18, v6;
	v50 =	vperm.xlane v18, v4  }
0xbf: {  	v53 =	vshll.u32 v51, $0xA;
	v19 =	vsel vm0, v19, v48  }
0xc0: {  	v54 =	vand.u32 $0x6000, v53;
	v20 =	vsel vm0, v49, v50;
	v52 =	vadd.s32 v3, v19  }
0xc1: {  	v22 =	vshll.u32 v51, $0x7;
	v56 =	vadd.s32 v3, v20;
	v55 =	vshll.u32 v52, $0x3  }
0xc2: {  	v22 =	vand.u32 $0x300, v22;
	v57 =	vshll.u32 v56, $0x3;
	v24 =	vand.u32 $0xFFFFFC00, v55  }
0xc3: {  	v19 =	vand.u32 $0x7F, v19;
	v26 =	vand.u32 $0xFFFFFC00, v57;
	v24 =	vadd.s32 v54, v24  }
0xc4: {  	v20 =	vand.u32 $0x7F, v20;
	v58 =	vadd.s32 v54, v26;
	v19 =	vor.u32 v19, v24  }
0xc5: {  	v20 =	vor.u32 v20, v58;
	v19 =	vor.u32 v22, v19  }
0xc6: {  	v20 =	vor.u32 v22, v20;
	_ =	sdelay $0x3  }
0xc7: {  	v19 =	vld.idx.msk [tilespmem:v19+s3+$0x0], $0xffff  }
0xc8: {  	v20 =	vld.idx.msk [tilespmem:v20+s3+$0x0], $0xffff;
	_ =	sdelay $0x3  }
0xc9: {  	(xrf1) =	vsort.ascd.msk.f32 $0xffff, v19, v52  }
0xca: {  	v59 =	vperm.xlane v18, v8;
	v19 =	vperm.xlane v18, v7;
	(xrf1) =	vsort.dscd.msk.f32 $0xffff, v20, v56;
	_ =	sdelay $0x1  }
0xcb: {  	v19 =	vsel vm0, v19, v59  }
0xcc: {  	v20 =	vadd.s32 v3, v19  }
0xcd: {  	v60 =	vshll.u32 v20, $0x3  }
0xce: {  	v23 =	vand.u32 $0xFFFFFC00, v60  }
0xcf: {  	v19 =	vand.u32 $0x7F, v19;
	v23 =	vadd.s32 v54, v23  }
0xd0: {  	v19 =	vor.u32 v19, v23  }
0xd1: {  	v19 =	vor.u32 v22, v19;
	_ =	sdelay $0x4  }
0xd2: {  	v19 =	vld.idx.msk [tilespmem:v19+s3+$0x0], $0xffff;
	v62, v61, _ =	vpop (xrf1)  }
0xd3: {  	v25, v63, _ =	vpop (xrf1)  }
0xd4: {  	vm2 =	vge.f32 v62, v25  }
0xd5: {  	v23 =	vsel vm2, v62, v25;
	v24 =	vsel vm2, v61, v63  }
0xd6: {  	(xrf1) =	vsort.ascd.msk.f32 $0xffff, v23, v24  }
0xd7: {  	v26 =	vperm.xlane v18, v5;
	(xrf1) =	vsort.dscd.msk.f32 $0xffff, v19, v20;
	v19 =	vperm.xlane v18, v9;
	_ =	sdelay $0x1  }
0xd8: {  	v19 =	vsel vm0, v19, v26  }
0xd9: {  	v20 =	vadd.s32 v3, v19  }
0xda: {  	v27 =	vshll.u32 v20, $0x3  }
0xdb: {  	v23 =	vand.u32 $0xFFFFFC00, v27  }
0xdc: {  	v19 =	vand.u32 $0x7F, v19;
	v23 =	vadd.s32 v54, v23  }
0xdd: {  	v19 =	vor.u32 v19, v23  }
0xde: {  	v19 =	vor.u32 v22, v19;
	_ =	sdelay $0x4  }
0xdf: {  	v28, v24, _ =	vpop (xrf1);
	v19 =	vld.idx.msk [tilespmem:v19+s3+$0x0], $0xffff  }
0xe0: {  	v29, v30, _ =	vpop (xrf1)  }
0xe1: {  	vm2 =	vge.f32 v28, v29  }
0xe2: {  	v23 =	vsel vm2, v28, v29;
	v24 =	vsel vm2, v24, v30  }
0xe3: {  	(xrf1) =	vsort.ascd.msk.f32 $0xffff, v23, v24  }
0xe4: {  	(xrf1) =	vsort.dscd.msk.f32 $0xffff, v19, v20;
	v19 =	vperm.xlane v18, v10;
	v18 =	vperm.xlane v18, v11;
	_ =	sdelay $0x1  }
0xe5: {  	v18 =	vsel vm0, v19, v18  }
0xe6: {  	v19 =	vadd.s32 v3, v18  }
0xe7: {  	v31 =	vshll.u32 v19, $0x3  }
0xe8: {  	v20 =	vand.u32 $0xFFFFFC00, v31  }
0xe9: {  	v18 =	vand.u32 $0x7F, v18;
	v20 =	vadd.s32 v54, v20  }
0xea: {  	v18 =	vor.u32 v18, v20  }
0xeb: {  	v18 =	vor.u32 v22, v18;
	_ =	sdelay $0x4  }
0xec: {  	v32, v21, _ =	vpop (xrf1);
	v18 =	vld.idx.msk [tilespmem:v18+s3+$0x0], $0xffff  }
0xed: {  	v34, v33, _ =	vpop (xrf1)  }
0xee: {  	vm2 =	vge.f32 v32, v34  }
0xef: {  	v20 =	vsel vm2, v32, v34;
	v21 =	vsel vm2, v21, v33  }
0xf0: {  	(xrf1) =	vsort.ascd.msk.f32 $0xffff, v20, v21  }
0xf1: {  	(xrf1) =	vsort.dscd.msk.f32 $0xffff, v18, v19;
	_ =	sdelay $0xc  }
0xf2: {  	v18, v19, _ =	vpop (xrf1)  }
0xf3: {  	v20, v21, _ =	vpop (xrf1)  }
0xf4: {  	vm2 =	vge.f32 v18, v20  }
0xf5: {  	v18 =	vsel vm2, v18, v20;
	v19 =	vsel vm2, v19, v21  }
0xf6: {  	(xrf1) =	vsort.ascd.msk.f32 $0xffff, v18, v19;
	_ =	sdelay $0xd  }
0xf7: {  	v18, v19, _ =	vpop (xrf1)  }
0xf8: {  	(xrf0) =	vmax.scan.msk.f32 $0xffff, v18;
	_ =	sdelay $0x5  }
0xf9: {  	v35, _, _ =	vpop (xrf0)  }
0xfa: {  	v20 =	vbroadcast v35, $0xF;
	_ =	sdelay $0x1  }
0xfb: {  	v18 =	vsub.f32 v18, v20;
	_ =	sdelay $0x1  }
0xfc: {  	v18 =	vmul.f32 $1.442695020e+00, v18;
	_ =	sdelay $0x1  }
0xfd: {  	(erf) = vpow2.f32 v18;
	_ =	sdelay $0x8  }
0xfe: {  	v18 =	vpop (erf)  }
0xff: {  	v18 =	vsel vm1, $0x0, v18  }
0x100: {  	(xrf2) =	vadd.scan.msk.f32 $0xffff, v18;
	_ =	sdelay $0x9  }
0x101: {  	v36, _, _ =	vpop (xrf2)  }
0x102: {  	v20 =	vbroadcast v36, $0xF;
	_ =	sdelay $0x1  }
0x103: {  	(erf) = vrcp.f32 v20;
	_ =	sdelay $0x8  }
0x104: {  	v20 =	vpop (erf)  }
0x105: {  	v18 =	vmul.f32 v20, v18  }
0x106: {  	vm2 =	vlt.s32 v19, $0x3E7  }
0x107: {  	[tilespmem:s17+$0x0] =	vst v18;
	v18 =	vnsel vm2, $0x3E7, v19  }
0x108: {  	[tilespmem:s15+$0x0] =	vst v18  }
0x109: {  	v18 =	vld [tilespmem:s16+$0x80];
	_ =	sdelay $0x4  }
0x10a: {  	s31 =	sadd.s32 $0x3, s18;
	v19 =	vperm.xlane v18, v1;
	v37 =	vperm.xlane v18, v2  }
0x10b: {  	v40 =	vmov s31;
	v38 =	vperm.xlane v18, v6;
	v39 =	vperm.xlane v18, v4  }
0x10c: {  	v42 =	vshll.u32 v40, $0xA;
	v19 =	vsel vm0, v19, v37  }
0x10d: {  	v43 =	vand.u32 $0x6000, v42;
	v20 =	vsel vm0, v38, v39;
	v41 =	vadd.s32 v3, v19  }
0x10e: {  	v22 =	vshll.u32 v40, $0x7;
	v45 =	vadd.s32 v3, v20;
	v44 =	vshll.u32 v41, $0x3  }
0x10f: {  	v22 =	vand.u32 $0x380, v22;
	v46 =	vshll.u32 v45, $0x3;
	v24 =	vand.u32 $0xFFFFFC00, v44  }
0x110: {  	v19 =	vand.u32 $0x7F, v19;
	v26 =	vand.u32 $0xFFFFFC00, v46;
	v24 =	vadd.s32 v43, v24  }
0x111: {  	v20 =	vand.u32 $0x7F, v20;
	v47 =	vadd.s32 v43, v26;
	v19 =	vor.u32 v19, v24  }
0x112: {  	v20 =	vor.u32 v20, v47;
	v19 =	vor.u32 v22, v19  }
0x113: {  	v20 =	vor.u32 v22, v20;
	_ =	sdelay $0x3  }
0x114: {  	v19 =	vld.idx.msk [tilespmem:v19+s3+$0x0], $0xffff  }
0x115: {  	v20 =	vld.idx.msk [tilespmem:v20+s3+$0x0], $0xffff;
	_ =	sdelay $0x3  }
0x116: {  	(xrf1) =	vsort.ascd.msk.f32 $0xffff, v19, v41  }
0x117: {  	v48 =	vperm.xlane v18, v8;
	v19 =	vperm.xlane v18, v7;
	(xrf1) =	vsort.dscd.msk.f32 $0xffff, v20, v45;
	_ =	sdelay $0x1  }
0x118: {  	v19 =	vsel vm0, v19, v48  }
0x119: {  	v20 =	vadd.s32 v3, v19  }
0x11a: {  	v49 =	vshll.u32 v20, $0x3  }
0x11b: {  	v23 =	vand.u32 $0xFFFFFC00, v49  }
0x11c: {  	v19 =	vand.u32 $0x7F, v19;
	v23 =	vadd.s32 v43, v23  }
0x11d: {  	v19 =	vor.u32 v19, v23  }
0x11e: {  	v19 =	vor.u32 v22, v19;
	_ =	sdelay $0x4  }
0x11f: {  	v19 =	vld.idx.msk [tilespmem:v19+s3+$0x0], $0xffff;
	v51, v50, _ =	vpop (xrf1)  }
0x120: {  	v25, v52, _ =	vpop (xrf1)  }
0x121: {  	vm2 =	vge.f32 v51, v25  }
0x122: {  	v23 =	vsel vm2, v51, v25;
	v24 =	vsel vm2, v50, v52  }
0x123: {  	(xrf1) =	vsort.ascd.msk.f32 $0xffff, v23, v24  }
0x124: {  	v53 =	vperm.xlane v18, v5;
	(xrf1) =	vsort.dscd.msk.f32 $0xffff, v19, v20;
	v19 =	vperm.xlane v18, v9;
	_ =	sdelay $0x1  }
0x125: {  	v19 =	vsel vm0, v19, v53  }
0x126: {  	v20 =	vadd.s32 v3, v19  }
0x127: {  	v54 =	vshll.u32 v20, $0x3  }
0x128: {  	v23 =	vand.u32 $0xFFFFFC00, v54  }
0x129: {  	v19 =	vand.u32 $0x7F, v19;
	v23 =	vadd.s32 v43, v23  }
0x12a: {  	v19 =	vor.u32 v19, v23  }
0x12b: {  	v19 =	vor.u32 v22, v19;
	_ =	sdelay $0x4  }
0x12c: {  	v55, v24, _ =	vpop (xrf1);
	v19 =	vld.idx.msk [tilespmem:v19+s3+$0x0], $0xffff  }
0x12d: {  	v56, v57, _ =	vpop (xrf1)  }
0x12e: {  	vm2 =	vge.f32 v55, v56  }
0x12f: {  	v23 =	vsel vm2, v55, v56;
	v24 =	vsel vm2, v24, v57  }
0x130: {  	(xrf1) =	vsort.ascd.msk.f32 $0xffff, v23, v24  }
0x131: {  	(xrf1) =	vsort.dscd.msk.f32 $0xffff, v19, v20;
	v19 =	vperm.xlane v18, v10;
	v18 =	vperm.xlane v18, v11;
	_ =	sdelay $0x1  }
0x132: {  	v18 =	vsel vm0, v19, v18  }
0x133: {  	v19 =	vadd.s32 v3, v18  }
0x134: {  	v58 =	vshll.u32 v19, $0x3  }
0x135: {  	v20 =	vand.u32 $0xFFFFFC00, v58  }
0x136: {  	v18 =	vand.u32 $0x7F, v18;
	v20 =	vadd.s32 v43, v20  }
0x137: {  	v18 =	vor.u32 v18, v20  }
0x138: {  	v18 =	vor.u32 v22, v18;
	_ =	sdelay $0x4  }
0x139: {  	v59, v21, _ =	vpop (xrf1);
	v18 =	vld.idx.msk [tilespmem:v18+s3+$0x0], $0xffff  }
0x13a: {  	v61, v60, _ =	vpop (xrf1)  }
0x13b: {  	vm2 =	vge.f32 v59, v61  }
0x13c: {  	v20 =	vsel vm2, v59, v61;
	v21 =	vsel vm2, v21, v60  }
0x13d: {  	(xrf1) =	vsort.ascd.msk.f32 $0xffff, v20, v21  }
0x13e: {  	(xrf1) =	vsort.dscd.msk.f32 $0xffff, v18, v19;
	_ =	sdelay $0xc  }
0x13f: {  	v18, v19, _ =	vpop (xrf1)  }
0x140: {  	v20, v21, _ =	vpop (xrf1)  }
0x141: {  	vm2 =	vge.f32 v18, v20  }
0x142: {  	v18 =	vsel vm2, v18, v20;
	v19 =	vsel vm2, v19, v21  }
0x143: {  	(xrf1) =	vsort.ascd.msk.f32 $0xffff, v18, v19;
	_ =	sdelay $0xd  }
0x144: {  	v18, v19, _ =	vpop (xrf1)  }
0x145: {  	(xrf0) =	vmax.scan.msk.f32 $0xffff, v18;
	_ =	sdelay $0x5  }
0x146: {  	v62, _, _ =	vpop (xrf0)  }
0x147: {  	v20 =	vbroadcast v62, $0xF;
	_ =	sdelay $0x1  }
0x148: {  	v18 =	vsub.f32 v18, v20;
	_ =	sdelay $0x1  }
0x149: {  	v18 =	vmul.f32 $1.442695020e+00, v18;
	_ =	sdelay $0x1  }
0x14a: {  	(erf) = vpow2.f32 v18;
	_ =	sdelay $0x8  }
0x14b: {  	v18 =	vpop (erf)  }
0x14c: {  	v18 =	vsel vm1, $0x0, v18  }
0x14d: {  	(xrf2) =	vadd.scan.msk.f32 $0xffff, v18;
	_ =	sdelay $0x9  }
0x14e: {  	v63, _, _ =	vpop (xrf2)  }
0x14f: {  	v20 =	vbroadcast v63, $0xF;
	_ =	sdelay $0x1  }
0x150: {  	(erf) = vrcp.f32 v20;
	_ =	sdelay $0x7  }
0x151: {  	p1 =	sne.s32 s18, $0x1C  }
.Ltmp0:
0x152: {  	v20 =	vpop (erf);
	(pc) =	sbr.rel @p1 .LBB2_2-.Ltmp0, $4  }
0x153: {  	v18 =	vmul.f32 v20, v18  }
0x154: {  	vm2 =	vlt.s32 v19, $0x3E7  }
0x155: {  	s18 =	sadd.s32 $0x4, s18;
	[tilespmem:s17+$0x80] =	vst v18;
	v18 =	vnsel vm2, $0x3E7, v19  }
0x156: {  	s16 =	sadd.s32 $0x200, s16;
	s17 =	sadd.s32 $0x200, s17;
	[tilespmem:s15+$0x10] =	vst v18;
	s15 =	sadd.s32 $0x40, s15  }
0x157: {  	_ =	strace $0x9000004A  }
0x158: {  	_ =	strace $0x8000004B  }
0x159: {  	_ =	swait.ge [sflag:s12], $0xFA00  }
0x15a: {  	[sflag:s12] =	ssyncset.done $0x0  }
0x15b: {  	[sflag:s12] =	ssyncadd.s32 $0xFFFF0600  }
0x15c: {  	_ =	strace $0x9000004B  }
0x15d: {  	s15 =	simm.s32 $0x0;
	s16 =	simm.s32 $0x9000;
	_ =	strace $0x8000004C  }
.LBB2_4:
0x15e: {  	v22 =	vld [tilespmem:s16+$0x0];
	_ =	sdelay $0x4  }
0x15f: {  	v18 =	vperm.xlane v22, v9;
	_ =	sdelay $0x1  }
0x160: {  	v23 =	vshll.u32 v18, $0x6  }
0x161: {  	v20 =	vor.u32 $0x10, v0;
	v24 =	vor.u32 v0, v23  }
0x162: {  	v19 =	vor.u32 $0x20, v0;
	v26 =	vperm.xlane v22, v5;
	v25 =	vor.u32 v20, v23  }
0x163: {  	v21 =	vor.u32 $0x30, v0;
	v27 =	vor.u32 v19, v23  }
0x164: {  	s17 =	sshra.s32 s15, $0x2;
	v26 =	vshll.u32 v26, $0x6;
	v23 =	vor.u32 v21, v23  }
0x165: {  	v18 =	vld [tilespmem:s17+$0x9200];
	v28 =	vor.u32 v0, v26  }
0x166: {  	v30 =	vperm.xlane v22, v10;
	v29 =	vor.u32 v20, v26;
	v24 =	vld.idx.msk [tilespmem:v24+s11+$0x0], $0xffff  }
0x167: {  	v36 =	vperm.xlane v22, v11;
	v31 =	vor.u32 v19, v26;
	v25 =	vld.idx.msk [tilespmem:v25+s11+$0x0], $0xffff  }
0x168: {  	v39 =	vperm.xlane v22, v12;
	v30 =	vshll.u32 v30, $0x6;
	v26 =	vor.u32 v21, v26;
	v27 =	vld.idx.msk [tilespmem:v27+s11+$0x0], $0xffff  }
0x169: {  	v61 =	vperm.xlane v22, v13;
	v41 =	vperm.xlane v22, v15;
	v33 =	vor.u32 v0, v30;
	v23 =	vld.idx.msk [tilespmem:v23+s11+$0x0], $0xffff  }
0x16a: {  	v36 =	vshll.u32 v36, $0x6;
	v57 =	vshll.u32 v39, $0x6;
	v34 =	vor.u32 v20, v30;
	v28 =	vld.idx.msk [tilespmem:v28+s11+$0x0], $0xffff  }
0x16b: {  	v42 =	vshll.u32 v61, $0x6;
	v41 =	vshll.u32 v41, $0x6;
	v47 =	vor.u32 v19, v30;
	v29 =	vld.idx.msk [tilespmem:v29+s11+$0x0], $0xffff  }
0x16c: {  	v30 =	vor.u32 v21, v30;
	v37 =	vor.u32 v0, v36;
	v38 =	vor.u32 v20, v36;
	v31 =	vld.idx.msk [tilespmem:v31+s11+$0x0], $0xffff  }
0x16d: {  	v52 =	vor.u32 v19, v36;
	v56 =	vor.u32 v21, v36;
	v58 =	vor.u32 v0, v57;
	v26 =	vld.idx.msk [tilespmem:v26+s11+$0x0], $0xffff  }
0x16e: {  	v60 =	vor.u32 v20, v57;
	v39 =	vor.u32 v19, v57;
	v63 =	vor.u32 v21, v57;
	v33 =	vld.idx.msk [tilespmem:v33+s11+$0x0], $0xffff  }
0x16f: {  	v45 =	vor.u32 v0, v42;
	v32 =	vperm.xlane v18, v9;
	v35 =	vperm.xlane v18, v5;
	v34 =	vld.idx.msk [tilespmem:v34+s11+$0x0], $0xffff  }
0x170: {  	v46 =	vor.u32 v20, v42;
	v50 =	vperm.xlane v18, v10;
	v62 =	vperm.xlane v18, v11;
	v51 =	vld.idx.msk [tilespmem:v47+s11+$0x0], $0xffff  }
0x171: {  	v36 =	vor.u32 v21, v42;
	v30 =	vld.idx.msk [tilespmem:v30+s11+$0x0], $0xffff;
	v47 =	vperm.xlane v22, v14;
	v24 =	vmul.f32 v24, v32  }
0x172: {  	v61 =	vor.u32 v21, v41;
	v55 =	vld.idx.msk [tilespmem:v37+s11+$0x0], $0xffff;
	v25 =	vmul.f32 v25, v32;
	v27 =	vmul.f32 v27, v32  }
0x173: {  	v44 =	vld.idx.msk [tilespmem:v56+s11+$0x0], $0xffff;
	v56 =	vor.u32 v0, v41;
	v23 =	vmul.f32 v23, v32;
	v28 =	vmul.f32 v28, v35  }
0x174: {  	v37 =	vshll.u32 v47, $0x6;
	v48 =	vmul.f32 v29, v35;
	v49 =	vmul.f32 v31, v35  }
0x175: {  	v59 =	vld.idx.msk [tilespmem:v38+s11+$0x0], $0xffff;
	v40 =	vor.u32 v0, v37;
	v26 =	vmul.f32 v26, v35;
	v53 =	vmul.f32 v33, v50  }
0x176: {  	v54 =	vmul.f32 v34, v50;
	v24 =	vadd.f32 $0.0e+00, v24;
	v25 =	vadd.f32 $0.0e+00, v25  }
0x177: {  	v39 =	vld.idx.msk [tilespmem:v39+s11+$0x0], $0xffff;
	v30 =	vmul.f32 v30, v50;
	v27 =	vadd.f32 $0.0e+00, v27;
	v23 =	vadd.f32 $0.0e+00, v23  }
0x178: {  	v32 =	vld.idx.msk [tilespmem:v52+s11+$0x0], $0xffff;
	v43 =	vmul.f32 v55, v62;
	v24 =	vadd.f32 v28, v24;
	v25 =	vadd.f32 v48, v25  }
0x179: {  	v38 =	vld.idx.msk [tilespmem:v61+s11+$0x0], $0xffff;
	v34 =	vmul.f32 v44, v62;
	v27 =	vadd.f32 v49, v27;
	v23 =	vadd.f32 v26, v23  }
0x17a: {  	v31 =	vld.idx.msk [tilespmem:v63+s11+$0x0], $0xffff;
	v28 =	vmul.f32 v51, v50;
	v48 =	vmul.f32 v59, v62;
	v50 =	vor.u32 v19, v42  }
0x17b: {  	v26 =	vld.idx.msk [tilespmem:v58+s11+$0x0], $0xffff;
	v51 =	vperm.xlane v18, v12;
	v58 =	vor.u32 v20, v41;
	v59 =	vperm.xlane v22, v16  }
0x17c: {  	v52 =	vld.idx.msk [tilespmem:v45+s11+$0x0], $0xffff;
	v42 =	vperm.xlane v18, v13;
	v22 =	vperm.xlane v22, v17;
	v24 =	vadd.f32 v53, v24  }
0x17d: {  	v55 =	vld.idx.msk [tilespmem:v36+s11+$0x0], $0xffff;
	v32 =	vmul.f32 v32, v62;
	v25 =	vadd.f32 v54, v25;
	v27 =	vadd.f32 v28, v27  }
0x17e: {  	v63 =	vld.idx.msk [tilespmem:v56+s11+$0x0], $0xffff;
	v23 =	vadd.f32 v30, v23;
	v53 =	vor.u32 v20, v37;
	v54 =	vor.u32 v19, v37  }
0x17f: {  	v57 =	vld.idx.msk [tilespmem:v40+s11+$0x0], $0xffff;
	v37 =	vor.u32 v21, v37;
	v39 =	vmul.f32 v39, v51;
	v40 =	vshll.u32 v59, $0x6  }
0x180: {  	v49 =	vld.idx.msk [tilespmem:v60+s11+$0x0], $0xffff;
	v28 =	vmul.f32 v31, v51;
	v22 =	vshll.u32 v22, $0x6;
	v62 =	vor.u32 v0, v40  }
0x181: {  	v30 =	vld.idx.msk [tilespmem:v46+s11+$0x0], $0xffff;
	v45 =	vor.u32 v20, v40;
	v47 =	vor.u32 v19, v40;
	v40 =	vor.u32 v21, v40  }
0x182: {  	v20 =	vor.u32 v20, v22;
	v24 =	vadd.f32 v43, v24;
	v25 =	vadd.f32 v48, v25;
	v33 =	vld.idx.msk [tilespmem:v50+s11+$0x0], $0xffff  }
0x183: {  	v21 =	vor.u32 v21, v22;
	v27 =	vadd.f32 v32, v27;
	v23 =	vadd.f32 v34, v23;
	v46 =	vld.idx.msk [tilespmem:v58+s11+$0x0], $0xffff  }
0x184: {  	v43 =	vor.u32 v19, v41;
	v32 =	vmul.f32 v52, v42;
	v52 =	vperm.xlane v18, v15;
	v35 =	vld.idx.msk [tilespmem:v53+s11+$0x0], $0xffff  }
0x185: {  	v19 =	vor.u32 v19, v22;
	v26 =	vmul.f32 v26, v51;
	v29 =	vmul.f32 v49, v51;
	v60 =	vld.idx.msk [tilespmem:v54+s11+$0x0], $0xffff  }
0x186: {  	v49 =	vperm.xlane v18, v14;
	v50 =	vor.u32 v0, v22;
	v27 =	vadd.f32 v39, v27;
	v37 =	vld.idx.msk [tilespmem:v37+s11+$0x0], $0xffff  }
0x187: {  	v23 =	vadd.f32 v28, v23;
	v28 =	vmul.f32 v63, v52;
	v24 =	vadd.f32 v26, v24;
	v51 =	vld.idx.msk [tilespmem:v62+s11+$0x0], $0xffff  }
0x188: {  	v22 =	vmul.f32 v38, v52;
	v25 =	vadd.f32 v29, v25;
	v30 =	vmul.f32 v30, v42;
	v34 =	vld.idx.msk [tilespmem:v45+s11+$0x0], $0xffff  }
0x189: {  	v26 =	vmul.f32 v55, v42;
	v29 =	vmul.f32 v57, v49;
	v36 =	vld.idx.msk [tilespmem:v47+s11+$0x0], $0xffff;
	v24 =	vadd.f32 v32, v24  }
0x18a: {  	v57 =	vperm.xlane v18, v16;
	v48 =	vld.idx.msk [tilespmem:v43+s11+$0x0], $0xffff;
	v25 =	vadd.f32 v30, v25;
	v33 =	vmul.f32 v33, v42  }
0x18b: {  	v18 =	vperm.xlane v18, v17;
	v54 =	vld.idx.msk [tilespmem:v40+s11+$0x0], $0xffff;
	v23 =	vadd.f32 v26, v23;
	v24 =	vadd.f32 v29, v24  }
0x18c: {  	v55 =	vld.idx.msk [tilespmem:v50+s11+$0x0], $0xffff;
	v56 =	vmul.f32 v46, v52;
	v27 =	vadd.f32 v33, v27;
	v35 =	vmul.f32 v35, v49  }
0x18d: {  	v20 =	vld.idx.msk [tilespmem:v20+s11+$0x0], $0xffff;
	v31 =	vmul.f32 v60, v49;
	v53 =	vmul.f32 v37, v49;
	v24 =	vadd.f32 v28, v24  }
0x18e: {  	v19 =	vld.idx.msk [tilespmem:v19+s11+$0x0], $0xffff;
	v59 =	vmul.f32 v51, v57;
	v60 =	vmul.f32 v34, v57;
	v25 =	vadd.f32 v35, v25  }
0x18f: {  	v21 =	vld.idx.msk [tilespmem:v21+s11+$0x0], $0xffff;
	v61 =	vmul.f32 v36, v57;
	v27 =	vadd.f32 v31, v27;
	v58 =	vmul.f32 v48, v52  }
0x190: {  	v63 =	vmul.f32 v54, v57;
	v23 =	vadd.f32 v53, v23;
	v25 =	vadd.f32 v56, v25  }
0x191: {  	v24 =	vadd.f32 v59, v24;
	v62 =	vmul.f32 v55, v18;
	v27 =	vadd.f32 v58, v27  }
0x192: {  	v20 =	vmul.f32 v20, v18;
	v22 =	vadd.f32 v22, v23;
	v23 =	vadd.f32 v60, v25  }
0x193: {  	p1 =	sne.s32 s15, $0x3E00;
	v19 =	vmul.f32 v19, v18;
	v24 =	vadd.f32 v62, v24;
	v26 =	vadd.f32 v61, v27  }
.Ltmp1:
0x194: {  	v18 =	vmul.f32 v21, v18;
	v22 =	vadd.f32 v63, v22;
	v20 =	vadd.f32 v20, v23;
	(pc) =	sbr.rel @p1 .LBB2_4-.Ltmp1, $4  }
0x195: {  	[tilespmem:s17+$0x1ADA0] =	vst v24;
	v19 =	vadd.f32 v19, v26  }
0x196: {  	v18 =	vadd.f32 v18, v22;
	[tilespmem:s17+$0x1ADB0] =	vst v20  }
0x197: {  	[tilespmem:s17+$0x1ADC0] =	vst v19  }
0x198: {  	s16 =	sadd.s32 $0x10, s16;
	s15 =	sadd.s32 $0x200, s15;
	[tilespmem:s17+$0x1ADD0] =	vst v18  }
0x199: {  	_ =	strace $0x9000004C;
	s14 =	sadd.s32 $0x1, s14  }
0x19a: {  	_ =	strace $0x8000004D;
	p1 =	sne.s32 s14, s7  }
0x19b: {  	[hbm4b:s6+s3] =	stream.linear.scatter [tilespmem:s13], [sflag:$0x2], $0x1000, $0x200038;
	[tilespmem:$0x1BDA0] =	vst v63  }
.Ltmp2:
0x19c: {  	_ = 	snop;
	(pc) =	sbr.rel @p1 .LBB2_1-.Ltmp2, $4  }
0x19d: {  	_ =	swait.ge [sflag:s9], $0x1000  }
0x19e: {  	[sflag:s9] =	ssyncset.done $0x0  }
0x19f: {  	[sflag:s9] =	ssyncadd.s32 $0xFFFFF000  }
0x1a0: {  	_ =	strace $0x9000004D  }
0x1a1: {  	_ =	sfence.sel $0x180000  }
0x1a2: {  	[bflag:$0x0] =	sbarrier.arrive $0xFFFF  }
0x1a3: {  	_ =	strace $0x90000047  }
0x1a4: {  	s0 =	sadd.s32 @!p0 $0x100000, s0;
	[bflag:$0x2] =	sbarrier.arrive $0xFFFF  }
0x1a5: {  	[sflag:s0] =	ssyncadd.tile.s32 @!p0 $0x1;
	_ =	shalt  }
.Lfunc_end2:
_tile_overlayer_lowered:
.L_overlay_start_2:
0x1a6: {  	(tag) =	ssettag $0x2  }
0x1a7: {  	s0 =	rddreg [dreg:$0x0];
	s2 =	stileid.u32  }
0x1a8: {  	s1 =	rddreg [dreg:$0x1];
	p0 =	sne.s32 s2, $0x0  }
0x1a9: {  	s3 =	rddreg [dreg:$0x2];
	[bflag:$0x3] =	sbarrier.arrive $0xFFFF;
	s2 =	simm.s32 @!p0 $0x1C02  }
0x1aa: {  	[timem:s3], [sflag:s2] =	dma.local @!p0 [hbm:s0], s1  }
0x1ab: {  	s0 =	simm.s32 @!p0 $0x2  }
0x1ac: {  	_ =	swait.ge @!p0 [sflag:s0], s1  }
0x1ad: {  	s1 =	ssub.s32 @!p0 $0x0, s1;
	[sflag:s0] =	ssyncset.done @!p0 $0x0  }
0x1ae: {  	[sflag:s0] =	ssyncadd.s32 @!p0 s1  }
0x1af: {  	[bflag:$0x3] =	sbarrier.arrive $0xFFFF  }
0x1b0: {  	_ =	shalt  }

</sc_bundles>
